<compile_context>
chip_gen: v7x
topology: tpu7x:2x2x1
jax: 0.10.2.dev20260603
libtpu: 0.0.44.dev20260713+nightly
codegen_flags: <defaults>
</compile_context>

<pallas_src>
import functools

import jax
import jax.numpy as jnp
from jax import lax
from jax.experimental import pallas as pl
from jax.experimental.pallas import tpu as pltpu
from jax.experimental.pallas import tpu_sc as plsc

_VOCAB = 32768
_EMBED = 512
_B = 1024 * 128

_info = plsc.get_sparse_core_info()
_NC = _info.num_cores
_NS = _info.num_subcores
_NW = _NC * _NS
_BPW = _B // _NW
_CHUNK = 32
_NCHUNK = _BPW // _CHUNK

_mesh = plsc.VectorSubcoreMesh(core_axis_name="c", subcore_axis_name="s")


@functools.partial(
    pl.kernel,
    mesh=_mesh,
    out_type=jax.ShapeDtypeStruct((_B, _EMBED), jnp.float32),
    scratch_types=[
        pltpu.VMEM((_NCHUNK, _CHUNK), jnp.int32),
        pltpu.VMEM((4, _CHUNK, _EMBED), jnp.float32),
        pltpu.SemaphoreType.DMA,
        pltpu.SemaphoreType.DMA,
    ],
)
def _emb_lookup(x_hbm, table_hbm, out_hbm, idx_v, rows_v, gsem, ssem):
    wid = lax.axis_index("s") * _NC + lax.axis_index("c")
    base = wid * _BPW
    pltpu.sync_copy(x_hbm.at[wid], idx_v)

    def gather(c, b):
        pltpu.async_copy(table_hbm.at[idx_v.at[c]], rows_v.at[b], gsem)

    def wait_gather(b):
        pltpu.make_async_copy(
            table_hbm.at[idx_v.at[0]], rows_v.at[b], gsem
        ).wait()

    def scatter(c, b):
        pltpu.async_copy(
            rows_v.at[b], out_hbm.at[pl.ds(base + c * _CHUNK, _CHUNK)], ssem
        )

    def wait_scatter(b):
        pltpu.make_async_copy(
            rows_v.at[b], out_hbm.at[pl.ds(base, _CHUNK)], ssem
        ).wait()

    gather(0, 0)
    gather(1, 1)
    gather(2, 2)

    wait_gather(0)
    scatter(0, 0)
    gather(3, 3)

    def body(g):
        for d in range(4):
            c = g + d
            b = (1 + d) % 4
            wait_gather(b)
            scatter(c, b)
            wait_scatter((b + 3) % 4)
            gather(c + 3, (b + 3) % 4)

    pl.loop(1, _NCHUNK - 3, step=4)(body)

    for c_tail in range(_NCHUNK - 3, _NCHUNK):
        b = c_tail % 4
        wait_gather(b)
        scatter(c_tail, b)
        wait_scatter((b + 3) % 4)
    wait_scatter((_NCHUNK - 1) % 4)


def kernel(x, table):
    chunked = x.reshape(_NW, _NCHUNK, _CHUNK)
    out = _emb_lookup(chunked, table)
    return out.reshape(x.shape[0], x.shape[1], _EMBED)

# --- scband reference (transcript-rebuilt; emitter-appended) ---
"""Pipeline reference for scband-text-embeddings-10917806866783 (READ-ONLY COPY).

The authoritative reference and input builder live on the scoring server;
editing this copy changes nothing except your own understanding.
"""

import jax, jax.numpy as jnp
import numpy as np

VOCAB = 32768
EMBED = 512
BATCH = 1024
SEQ = 128

def setup_inputs(seed: int = 0) -> dict:
    key = jax.random.key(seed)
    k1, k2 = jax.random.split(key)
    x = jax.random.randint(k1, (BATCH, SEQ), 0, VOCAB, dtype=jnp.int64 if jax.config.jax_enable_x64 else jnp.int32)
    # embedding table (learned parameter), nn.Embedding default init ~ N(0,1)
    table = jax.random.normal(k2, (VOCAB, EMBED), dtype=jnp.float32)
    return {"x": x, "table": table}

def reference(x, table):
    # nn.Embedding forward: gather rows of the table by index
    return jnp.take(table, x, axis=0)

if __name__ == "__main__":
    import jax
    _d = setup_inputs()
    print(jax.jit(kernel)(*tuple(_d.values())))

</pallas_src>

<mosaic_0001>
#map = affine_map<(d0, d1) -> (0, 0, 0)>
#map1 = affine_map<(d0, d1) -> (0, 0)>
module attributes {stable_mosaic.version = 14 : i64} {
  func.func @_emb_lookup(%arg0: i32, %arg1: i32, %arg2: memref<32x128x32xi32, #tpu.memory_space<hbm>>, %arg3: memref<32768x512xf32, #tpu.memory_space<hbm>>, %arg4: memref<131072x512xf32, #tpu.memory_space<hbm>>, %arg5: memref<128x32xi32, #tpu.memory_space<vmem>>, %arg6: memref<4x32x512xf32, #tpu.memory_space<vmem>>, %arg7: memref<!tpu.dma_semaphore, #tpu.memory_space<semaphore_mem>>, %arg8: memref<!tpu.dma_semaphore, #tpu.memory_space<semaphore_mem>>) attributes {dimension_semantics = [#tpu.dimension_semantics<core_parallel>, #tpu.dimension_semantics<subcore_parallel>], iteration_bounds = array<i64: 2, 16>, scalar_prefetch = 0 : i64, scratch_operands = 4 : i64, tpu.core_type = #tpu.core_type<sc_vector_subcore>, window_params = [{transform_indices = #map}, {transform_indices = #map1}, {transform_indices = #map1}]} {
    %mul3A = arith.constant 2 : i32
    %mul3A_0 = arith.muli %arg1, %mul3A : i32
    %add3A = arith.addi %mul3A_0, %arg0 : i32
    %mul3A_1 = arith.constant 4096 : i32
    %mul3A_2 = arith.muli %add3A, %mul3A_1 : i32
    "tpu.region"() ({
      %run_scoped3A = tpu.sem_alloc : memref<!tpu.dma_semaphore, #tpu.memory_space<semaphore_mem>>
      %dma_start3A_213 = arith.constant 0 : i32
      %dma_start3A_214 = arith.constant 0 : i32
      %dma_start3A_215 = tpu.memref_slice %arg2[%add3A, %dma_start3A_213, %dma_start3A_214] : memref<32x128x32xi32, #tpu.memory_space<hbm>> -> memref<1x128x32xi32, #tpu.memory_space<hbm>>
      %dma_start3A_216 = tpu.memref_squeeze %dma_start3A_215 : memref<1x128x32xi32, #tpu.memory_space<hbm>> -> memref<128x32xi32, #tpu.memory_space<hbm>>
      %dma_start3A_217 = arith.constant 0 : i32
      %dma_start3A_218 = arith.constant 0 : i32
      %dma_start3A_219 = tpu.memref_slice %arg2[%add3A, %dma_start3A_217, %dma_start3A_218] : memref<32x128x32xi32, #tpu.memory_space<hbm>> -> memref<1x128x32xi32, #tpu.memory_space<hbm>>
      %dma_start3A_220 = tpu.memref_squeeze %dma_start3A_219 : memref<1x128x32xi32, #tpu.memory_space<hbm>> -> memref<128x32xi32, #tpu.memory_space<hbm>>
      tpu.enqueue_dma source(%dma_start3A_220 : memref<128x32xi32, #tpu.memory_space<hbm>>) target(%arg5 : memref<128x32xi32, #tpu.memory_space<vmem>>) target_semaphore(%run_scoped3A : memref<!tpu.dma_semaphore, #tpu.memory_space<semaphore_mem>>)
      %dma_wait3A_221 = arith.constant 0 : i32
      %dma_wait3A_222 = arith.constant 0 : i32
      %dma_wait3A_223 = tpu.memref_slice %arg2[%add3A, %dma_wait3A_221, %dma_wait3A_222] : memref<32x128x32xi32, #tpu.memory_space<hbm>> -> memref<1x128x32xi32, #tpu.memory_space<hbm>>
      %dma_wait3A_224 = tpu.memref_squeeze %dma_wait3A_223 : memref<1x128x32xi32, #tpu.memory_space<hbm>> -> memref<128x32xi32, #tpu.memory_space<hbm>>
      %dma_wait3A_225 = arith.constant 0 : i32
      %dma_wait3A_226 = arith.constant 0 : i32
      %dma_wait3A_227 = tpu.memref_slice %arg2[%add3A, %dma_wait3A_225, %dma_wait3A_226] : memref<32x128x32xi32, #tpu.memory_space<hbm>> -> memref<1x128x32xi32, #tpu.memory_space<hbm>>
      %dma_wait3A_228 = tpu.memref_squeeze %dma_wait3A_227 : memref<1x128x32xi32, #tpu.memory_space<hbm>> -> memref<128x32xi32, #tpu.memory_space<hbm>>
      tpu.wait_dma2 semaphore(%run_scoped3A : memref<!tpu.dma_semaphore, #tpu.memory_space<semaphore_mem>>) src(%dma_wait3A_228 : memref<128x32xi32, #tpu.memory_space<hbm>>) dst(%arg5 : memref<128x32xi32, #tpu.memory_space<vmem>>)
      tpu.yield
    }) : () -> ()
    %dma_start3A = arith.constant 0 : i32
    %dma_start3A_3 = arith.constant 0 : i32
    %dma_start3A_4 = arith.constant 0 : i32
    %dma_start3A_5 = arith.constant 0 : i32
    %dma_start3A_6 = tpu.memref_slice %arg6[%dma_start3A_3, %dma_start3A_4, %dma_start3A_5] : memref<4x32x512xf32, #tpu.memory_space<vmem>> -> memref<1x32x512xf32, #tpu.memory_space<vmem>>
    %dma_start3A_7 = tpu.memref_squeeze %dma_start3A_6 : memref<1x32x512xf32, #tpu.memory_space<vmem>> -> memref<32x512xf32, #tpu.memory_space<vmem>>
    %dma_start3A_8 = arith.constant 0 : i32
    %dma_start3A_9 = tpu.memref_slice %arg5[%dma_start3A, %dma_start3A_8] : memref<128x32xi32, #tpu.memory_space<vmem>> -> memref<1x32xi32, #tpu.memory_space<vmem>>
    %dma_start3A_10 = tpu.memref_squeeze %dma_start3A_9 : memref<1x32xi32, #tpu.memory_space<vmem>> -> memref<32xi32, #tpu.memory_space<vmem>>
    %dma_start3A_11 = arith.constant 0 : i32
    %dma_start3A_12 = arith.constant 0 : i32
    %dma_start3A_13 = tpu.memref_slice %arg3[%dma_start3A_11, %dma_start3A_12] : memref<32768x512xf32, #tpu.memory_space<hbm>> -> memref<32768x512xf32, #tpu.memory_space<hbm>>
    tpu.enqueue_indirect_dma source(%dma_start3A_13 : memref<32768x512xf32, #tpu.memory_space<hbm>>) target(%dma_start3A_7 : memref<32x512xf32, #tpu.memory_space<vmem>>) offsets(%dma_start3A_10 : memref<32xi32, #tpu.memory_space<vmem>>) semaphore(%arg7 : memref<!tpu.dma_semaphore, #tpu.memory_space<semaphore_mem>>)
    %dma_start3A_14 = arith.constant 1 : i32
    %dma_start3A_15 = arith.constant 1 : i32
    %dma_start3A_16 = arith.constant 0 : i32
    %dma_start3A_17 = arith.constant 0 : i32
    %dma_start3A_18 = tpu.memref_slice %arg6[%dma_start3A_15, %dma_start3A_16, %dma_start3A_17] : memref<4x32x512xf32, #tpu.memory_space<vmem>> -> memref<1x32x512xf32, #tpu.memory_space<vmem>>
    %dma_start3A_19 = tpu.memref_squeeze %dma_start3A_18 : memref<1x32x512xf32, #tpu.memory_space<vmem>> -> memref<32x512xf32, #tpu.memory_space<vmem>>
    %dma_start3A_20 = arith.constant 0 : i32
    %dma_start3A_21 = tpu.memref_slice %arg5[%dma_start3A_14, %dma_start3A_20] : memref<128x32xi32, #tpu.memory_space<vmem>> -> memref<1x32xi32, #tpu.memory_space<vmem>>
    %dma_start3A_22 = tpu.memref_squeeze %dma_start3A_21 : memref<1x32xi32, #tpu.memory_space<vmem>> -> memref<32xi32, #tpu.memory_space<vmem>>
    %dma_start3A_23 = arith.constant 0 : i32
    %dma_start3A_24 = arith.constant 0 : i32
    %dma_start3A_25 = tpu.memref_slice %arg3[%dma_start3A_23, %dma_start3A_24] : memref<32768x512xf32, #tpu.memory_space<hbm>> -> memref<32768x512xf32, #tpu.memory_space<hbm>>
    tpu.enqueue_indirect_dma source(%dma_start3A_25 : memref<32768x512xf32, #tpu.memory_space<hbm>>) target(%dma_start3A_19 : memref<32x512xf32, #tpu.memory_space<vmem>>) offsets(%dma_start3A_22 : memref<32xi32, #tpu.memory_space<vmem>>) semaphore(%arg7 : memref<!tpu.dma_semaphore, #tpu.memory_space<semaphore_mem>>)
    %dma_start3A_26 = arith.constant 2 : i32
    %dma_start3A_27 = arith.constant 2 : i32
    %dma_start3A_28 = arith.constant 0 : i32
    %dma_start3A_29 = arith.constant 0 : i32
    %dma_start3A_30 = tpu.memref_slice %arg6[%dma_start3A_27, %dma_start3A_28, %dma_start3A_29] : memref<4x32x512xf32, #tpu.memory_space<vmem>> -> memref<1x32x512xf32, #tpu.memory_space<vmem>>
    %dma_start3A_31 = tpu.memref_squeeze %dma_start3A_30 : memref<1x32x512xf32, #tpu.memory_space<vmem>> -> memref<32x512xf32, #tpu.memory_space<vmem>>
    %dma_start3A_32 = arith.constant 0 : i32
    %dma_start3A_33 = tpu.memref_slice %arg5[%dma_start3A_26, %dma_start3A_32] : memref<128x32xi32, #tpu.memory_space<vmem>> -> memref<1x32xi32, #tpu.memory_space<vmem>>
    %dma_start3A_34 = tpu.memref_squeeze %dma_start3A_33 : memref<1x32xi32, #tpu.memory_space<vmem>> -> memref<32xi32, #tpu.memory_space<vmem>>
    %dma_start3A_35 = arith.constant 0 : i32
    %dma_start3A_36 = arith.constant 0 : i32
    %dma_start3A_37 = tpu.memref_slice %arg3[%dma_start3A_35, %dma_start3A_36] : memref<32768x512xf32, #tpu.memory_space<hbm>> -> memref<32768x512xf32, #tpu.memory_space<hbm>>
    tpu.enqueue_indirect_dma source(%dma_start3A_37 : memref<32768x512xf32, #tpu.memory_space<hbm>>) target(%dma_start3A_31 : memref<32x512xf32, #tpu.memory_space<vmem>>) offsets(%dma_start3A_34 : memref<32xi32, #tpu.memory_space<vmem>>) semaphore(%arg7 : memref<!tpu.dma_semaphore, #tpu.memory_space<semaphore_mem>>)
    %dma_wait3A = arith.constant 0 : i32
    %dma_wait3A_38 = arith.constant 0 : i32
    %dma_wait3A_39 = arith.constant 0 : i32
    %dma_wait3A_40 = arith.constant 0 : i32
    %dma_wait3A_41 = tpu.memref_slice %arg6[%dma_wait3A_38, %dma_wait3A_39, %dma_wait3A_40] : memref<4x32x512xf32, #tpu.memory_space<vmem>> -> memref<1x32x512xf32, #tpu.memory_space<vmem>>
    %dma_wait3A_42 = tpu.memref_squeeze %dma_wait3A_41 : memref<1x32x512xf32, #tpu.memory_space<vmem>> -> memref<32x512xf32, #tpu.memory_space<vmem>>
    %dma_wait3A_43 = arith.constant 0 : i32
    %dma_wait3A_44 = tpu.memref_slice %arg5[%dma_wait3A, %dma_wait3A_43] : memref<128x32xi32, #tpu.memory_space<vmem>> -> memref<1x32xi32, #tpu.memory_space<vmem>>
    %dma_wait3A_45 = tpu.memref_squeeze %dma_wait3A_44 : memref<1x32xi32, #tpu.memory_space<vmem>> -> memref<32xi32, #tpu.memory_space<vmem>>
    %dma_wait3A_46 = arith.constant 0 : i32
    %dma_wait3A_47 = arith.constant 0 : i32
    %dma_wait3A_48 = tpu.memref_slice %arg3[%dma_wait3A_46, %dma_wait3A_47] : memref<32768x512xf32, #tpu.memory_space<hbm>> -> memref<32768x512xf32, #tpu.memory_space<hbm>>
    tpu.wait_indirect_dma semaphore(%arg7 : memref<!tpu.dma_semaphore, #tpu.memory_space<semaphore_mem>>) src(%dma_wait3A_48 : memref<32768x512xf32, #tpu.memory_space<hbm>>) dst(%dma_wait3A_42 : memref<32x512xf32, #tpu.memory_space<vmem>>)
    %add3A_49 = arith.constant 0 : i32
    %add3A_50 = arith.addi %mul3A_2, %add3A_49 : i32
    %dma_start3A_51 = arith.constant 0 : i32
    %dma_start3A_52 = arith.constant 0 : i32
    %dma_start3A_53 = arith.constant 0 : i32
    %dma_start3A_54 = tpu.memref_slice %arg6[%dma_start3A_51, %dma_start3A_52, %dma_start3A_53] : memref<4x32x512xf32, #tpu.memory_space<vmem>> -> memref<1x32x512xf32, #tpu.memory_space<vmem>>
    %dma_start3A_55 = tpu.memref_squeeze %dma_start3A_54 : memref<1x32x512xf32, #tpu.memory_space<vmem>> -> memref<32x512xf32, #tpu.memory_space<vmem>>
    %dma_start3A_56 = arith.constant 0 : i32
    %dma_start3A_57 = tpu.memref_slice %arg4[%add3A_50, %dma_start3A_56] : memref<131072x512xf32, #tpu.memory_space<hbm>> -> memref<32x512xf32, #tpu.memory_space<hbm>>
    %dma_start3A_58 = arith.constant 0 : i32
    %dma_start3A_59 = tpu.memref_slice %arg4[%add3A_50, %dma_start3A_58] : memref<131072x512xf32, #tpu.memory_space<hbm>> -> memref<32x512xf32, #tpu.memory_space<hbm>>
    %dma_start3A_60 = arith.constant 0 : i32
    %dma_start3A_61 = arith.constant 0 : i32
    %dma_start3A_62 = tpu.memref_slice %arg6[%dma_start3A_51, %dma_start3A_60, %dma_start3A_61] : memref<4x32x512xf32, #tpu.memory_space<vmem>> -> memref<1x32x512xf32, #tpu.memory_space<vmem>>
    %dma_start3A_63 = tpu.memref_squeeze %dma_start3A_62 : memref<1x32x512xf32, #tpu.memory_space<vmem>> -> memref<32x512xf32, #tpu.memory_space<vmem>>
    tpu.enqueue_dma source(%dma_start3A_63 : memref<32x512xf32, #tpu.memory_space<vmem>>) target(%dma_start3A_59 : memref<32x512xf32, #tpu.memory_space<hbm>>) target_semaphore(%arg8 : memref<!tpu.dma_semaphore, #tpu.memory_space<semaphore_mem>>)
    %dma_start3A_64 = arith.constant 3 : i32
    %dma_start3A_65 = arith.constant 3 : i32
    %dma_start3A_66 = arith.constant 0 : i32
    %dma_start3A_67 = arith.constant 0 : i32
    %dma_start3A_68 = tpu.memref_slice %arg6[%dma_start3A_65, %dma_start3A_66, %dma_start3A_67] : memref<4x32x512xf32, #tpu.memory_space<vmem>> -> memref<1x32x512xf32, #tpu.memory_space<vmem>>
    %dma_start3A_69 = tpu.memref_squeeze %dma_start3A_68 : memref<1x32x512xf32, #tpu.memory_space<vmem>> -> memref<32x512xf32, #tpu.memory_space<vmem>>
    %dma_start3A_70 = arith.constant 0 : i32
    %dma_start3A_71 = tpu.memref_slice %arg5[%dma_start3A_64, %dma_start3A_70] : memref<128x32xi32, #tpu.memory_space<vmem>> -> memref<1x32xi32, #tpu.memory_space<vmem>>
    %dma_start3A_72 = tpu.memref_squeeze %dma_start3A_71 : memref<1x32xi32, #tpu.memory_space<vmem>> -> memref<32xi32, #tpu.memory_space<vmem>>
    %dma_start3A_73 = arith.constant 0 : i32
    %dma_start3A_74 = arith.constant 0 : i32
    %dma_start3A_75 = tpu.memref_slice %arg3[%dma_start3A_73, %dma_start3A_74] : memref<32768x512xf32, #tpu.memory_space<hbm>> -> memref<32768x512xf32, #tpu.memory_space<hbm>>
    tpu.enqueue_indirect_dma source(%dma_start3A_75 : memref<32768x512xf32, #tpu.memory_space<hbm>>) target(%dma_start3A_69 : memref<32x512xf32, #tpu.memory_space<vmem>>) offsets(%dma_start3A_72 : memref<32xi32, #tpu.memory_space<vmem>>) semaphore(%arg7 : memref<!tpu.dma_semaphore, #tpu.memory_space<semaphore_mem>>)
    %scan3A = arith.constant 0 : i32
    %scan3A_76 = arith.constant 31 : i32
    %scan3A_77 = arith.addi %scan3A, %scan3A_76 : i32
    %scan3A_78 = arith.constant 1 : i32
    scf.for %scan3A_213 = %scan3A to %scan3A_77 step %scan3A_78  : i32 {
      %mul3A_214 = arith.constant 4 : i32
      %mul3A_215 = arith.muli %scan3A_213, %mul3A_214 : i32
      %add3A_216 = arith.constant 1 : i32
      %add3A_217 = arith.addi %add3A_216, %mul3A_215 : i32
      %add3A_218 = arith.constant 0 : i32
      %add3A_219 = arith.addi %add3A_217, %add3A_218 : i32
      %dma_wait3A_220 = arith.constant 0 : i32
      %dma_wait3A_221 = arith.constant 1 : i32
      %dma_wait3A_222 = arith.constant 0 : i32
      %dma_wait3A_223 = arith.constant 0 : i32
      %dma_wait3A_224 = tpu.memref_slice %arg6[%dma_wait3A_221, %dma_wait3A_222, %dma_wait3A_223] : memref<4x32x512xf32, #tpu.memory_space<vmem>> -> memref<1x32x512xf32, #tpu.memory_space<vmem>>
      %dma_wait3A_225 = tpu.memref_squeeze %dma_wait3A_224 : memref<1x32x512xf32, #tpu.memory_space<vmem>> -> memref<32x512xf32, #tpu.memory_space<vmem>>
      %dma_wait3A_226 = arith.constant 0 : i32
      %dma_wait3A_227 = tpu.memref_slice %arg5[%dma_wait3A_220, %dma_wait3A_226] : memref<128x32xi32, #tpu.memory_space<vmem>> -> memref<1x32xi32, #tpu.memory_space<vmem>>
      %dma_wait3A_228 = tpu.memref_squeeze %dma_wait3A_227 : memref<1x32xi32, #tpu.memory_space<vmem>> -> memref<32xi32, #tpu.memory_space<vmem>>
      %dma_wait3A_229 = arith.constant 0 : i32
      %dma_wait3A_230 = arith.constant 0 : i32
      %dma_wait3A_231 = tpu.memref_slice %arg3[%dma_wait3A_229, %dma_wait3A_230] : memref<32768x512xf32, #tpu.memory_space<hbm>> -> memref<32768x512xf32, #tpu.memory_space<hbm>>
      tpu.wait_indirect_dma semaphore(%arg7 : memref<!tpu.dma_semaphore, #tpu.memory_space<semaphore_mem>>) src(%dma_wait3A_231 : memref<32768x512xf32, #tpu.memory_space<hbm>>) dst(%dma_wait3A_225 : memref<32x512xf32, #tpu.memory_space<vmem>>)
      %mul3A_232 = arith.constant 32 : i32
      %mul3A_233 = arith.muli %add3A_219, %mul3A_232 : i32
      %add3A_234 = arith.addi %mul3A_2, %mul3A_233 : i32
      %dma_start3A_235 = arith.constant 1 : i32
      %dma_start3A_236 = arith.constant 0 : i32
      %dma_start3A_237 = arith.constant 0 : i32
      %dma_start3A_238 = tpu.memref_slice %arg6[%dma_start3A_235, %dma_start3A_236, %dma_start3A_237] : memref<4x32x512xf32, #tpu.memory_space<vmem>> -> memref<1x32x512xf32, #tpu.memory_space<vmem>>
      %dma_start3A_239 = tpu.memref_squeeze %dma_start3A_238 : memref<1x32x512xf32, #tpu.memory_space<vmem>> -> memref<32x512xf32, #tpu.memory_space<vmem>>
      %dma_start3A_240 = arith.constant 0 : i32
      %dma_start3A_241 = tpu.memref_slice %arg4[%add3A_234, %dma_start3A_240] : memref<131072x512xf32, #tpu.memory_space<hbm>> -> memref<32x512xf32, #tpu.memory_space<hbm>>
      %dma_start3A_242 = arith.constant 0 : i32
      %dma_start3A_243 = tpu.memref_slice %arg4[%add3A_234, %dma_start3A_242] : memref<131072x512xf32, #tpu.memory_space<hbm>> -> memref<32x512xf32, #tpu.memory_space<hbm>>
      %dma_start3A_244 = arith.constant 0 : i32
      %dma_start3A_245 = arith.constant 0 : i32
      %dma_start3A_246 = tpu.memref_slice %arg6[%dma_start3A_235, %dma_start3A_244, %dma_start3A_245] : memref<4x32x512xf32, #tpu.memory_space<vmem>> -> memref<1x32x512xf32, #tpu.memory_space<vmem>>
      %dma_start3A_247 = tpu.memref_squeeze %dma_start3A_246 : memref<1x32x512xf32, #tpu.memory_space<vmem>> -> memref<32x512xf32, #tpu.memory_space<vmem>>
      tpu.enqueue_dma source(%dma_start3A_247 : memref<32x512xf32, #tpu.memory_space<vmem>>) target(%dma_start3A_243 : memref<32x512xf32, #tpu.memory_space<hbm>>) target_semaphore(%arg8 : memref<!tpu.dma_semaphore, #tpu.memory_space<semaphore_mem>>)
      %dma_wait3A_248 = arith.constant 0 : i32
      %dma_wait3A_249 = arith.constant 0 : i32
      %dma_wait3A_250 = arith.constant 0 : i32
      %dma_wait3A_251 = tpu.memref_slice %arg6[%dma_wait3A_248, %dma_wait3A_249, %dma_wait3A_250] : memref<4x32x512xf32, #tpu.memory_space<vmem>> -> memref<1x32x512xf32, #tpu.memory_space<vmem>>
      %dma_wait3A_252 = tpu.memref_squeeze %dma_wait3A_251 : memref<1x32x512xf32, #tpu.memory_space<vmem>> -> memref<32x512xf32, #tpu.memory_space<vmem>>
      %dma_wait3A_253 = arith.constant 0 : i32
      %dma_wait3A_254 = tpu.memref_slice %arg4[%mul3A_2, %dma_wait3A_253] : memref<131072x512xf32, #tpu.memory_space<hbm>> -> memref<32x512xf32, #tpu.memory_space<hbm>>
      %dma_wait3A_255 = arith.constant 0 : i32
      %dma_wait3A_256 = tpu.memref_slice %arg4[%mul3A_2, %dma_wait3A_255] : memref<131072x512xf32, #tpu.memory_space<hbm>> -> memref<32x512xf32, #tpu.memory_space<hbm>>
      %dma_wait3A_257 = arith.constant 0 : i32
      %dma_wait3A_258 = arith.constant 0 : i32
      %dma_wait3A_259 = tpu.memref_slice %arg6[%dma_wait3A_248, %dma_wait3A_257, %dma_wait3A_258] : memref<4x32x512xf32, #tpu.memory_space<vmem>> -> memref<1x32x512xf32, #tpu.memory_space<vmem>>
      %dma_wait3A_260 = tpu.memref_squeeze %dma_wait3A_259 : memref<1x32x512xf32, #tpu.memory_space<vmem>> -> memref<32x512xf32, #tpu.memory_space<vmem>>
      tpu.wait_dma2 semaphore(%arg8 : memref<!tpu.dma_semaphore, #tpu.memory_space<semaphore_mem>>) src(%dma_wait3A_260 : memref<32x512xf32, #tpu.memory_space<vmem>>) dst(%dma_wait3A_256 : memref<32x512xf32, #tpu.memory_space<hbm>>)
      %add3A_261 = arith.constant 3 : i32
      %add3A_262 = arith.addi %add3A_219, %add3A_261 : i32
      %dma_start3A_263 = arith.constant 0 : i32
      %dma_start3A_264 = arith.constant 0 : i32
      %dma_start3A_265 = arith.constant 0 : i32
      %dma_start3A_266 = tpu.memref_slice %arg6[%dma_start3A_263, %dma_start3A_264, %dma_start3A_265] : memref<4x32x512xf32, #tpu.memory_space<vmem>> -> memref<1x32x512xf32, #tpu.memory_space<vmem>>
      %dma_start3A_267 = tpu.memref_squeeze %dma_start3A_266 : memref<1x32x512xf32, #tpu.memory_space<vmem>> -> memref<32x512xf32, #tpu.memory_space<vmem>>
      %dma_start3A_268 = arith.constant 0 : i32
      %dma_start3A_269 = tpu.memref_slice %arg5[%add3A_262, %dma_start3A_268] : memref<128x32xi32, #tpu.memory_space<vmem>> -> memref<1x32xi32, #tpu.memory_space<vmem>>
      %dma_start3A_270 = tpu.memref_squeeze %dma_start3A_269 : memref<1x32xi32, #tpu.memory_space<vmem>> -> memref<32xi32, #tpu.memory_space<vmem>>
      %dma_start3A_271 = arith.constant 0 : i32
      %dma_start3A_272 = arith.constant 0 : i32
      %dma_start3A_273 = tpu.memref_slice %arg3[%dma_start3A_271, %dma_start3A_272] : memref<32768x512xf32, #tpu.memory_space<hbm>> -> memref<32768x512xf32, #tpu.memory_space<hbm>>
      tpu.enqueue_indirect_dma source(%dma_start3A_273 : memref<32768x512xf32, #tpu.memory_space<hbm>>) target(%dma_start3A_267 : memref<32x512xf32, #tpu.memory_space<vmem>>) offsets(%dma_start3A_270 : memref<32xi32, #tpu.memory_space<vmem>>) semaphore(%arg7 : memref<!tpu.dma_semaphore, #tpu.memory_space<semaphore_mem>>)
      %add3A_274 = arith.constant 1 : i32
      %add3A_275 = arith.addi %add3A_217, %add3A_274 : i32
      %dma_wait3A_276 = arith.constant 0 : i32
      %dma_wait3A_277 = arith.constant 2 : i32
      %dma_wait3A_278 = arith.constant 0 : i32
      %dma_wait3A_279 = arith.constant 0 : i32
      %dma_wait3A_280 = tpu.memref_slice %arg6[%dma_wait3A_277, %dma_wait3A_278, %dma_wait3A_279] : memref<4x32x512xf32, #tpu.memory_space<vmem>> -> memref<1x32x512xf32, #tpu.memory_space<vmem>>
      %dma_wait3A_281 = tpu.memref_squeeze %dma_wait3A_280 : memref<1x32x512xf32, #tpu.memory_space<vmem>> -> memref<32x512xf32, #tpu.memory_space<vmem>>
      %dma_wait3A_282 = arith.constant 0 : i32
      %dma_wait3A_283 = tpu.memref_slice %arg5[%dma_wait3A_276, %dma_wait3A_282] : memref<128x32xi32, #tpu.memory_space<vmem>> -> memref<1x32xi32, #tpu.memory_space<vmem>>
      %dma_wait3A_284 = tpu.memref_squeeze %dma_wait3A_283 : memref<1x32xi32, #tpu.memory_space<vmem>> -> memref<32xi32, #tpu.memory_space<vmem>>
      %dma_wait3A_285 = arith.constant 0 : i32
      %dma_wait3A_286 = arith.constant 0 : i32
      %dma_wait3A_287 = tpu.memref_slice %arg3[%dma_wait3A_285, %dma_wait3A_286] : memref<32768x512xf32, #tpu.memory_space<hbm>> -> memref<32768x512xf32, #tpu.memory_space<hbm>>
      tpu.wait_indirect_dma semaphore(%arg7 : memref<!tpu.dma_semaphore, #tpu.memory_space<semaphore_mem>>) src(%dma_wait3A_287 : memref<32768x512xf32, #tpu.memory_space<hbm>>) dst(%dma_wait3A_281 : memref<32x512xf32, #tpu.memory_space<vmem>>)
      %mul3A_288 = arith.constant 32 : i32
      %mul3A_289 = arith.muli %add3A_275, %mul3A_288 : i32
      %add3A_290 = arith.addi %mul3A_2, %mul3A_289 : i32
      %dma_start3A_291 = arith.constant 2 : i32
      %dma_start3A_292 = arith.constant 0 : i32
      %dma_start3A_293 = arith.constant 0 : i32
      %dma_start3A_294 = tpu.memref_slice %arg6[%dma_start3A_291, %dma_start3A_292, %dma_start3A_293] : memref<4x32x512xf32, #tpu.memory_space<vmem>> -> memref<1x32x512xf32, #tpu.memory_space<vmem>>
      %dma_start3A_295 = tpu.memref_squeeze %dma_start3A_294 : memref<1x32x512xf32, #tpu.memory_space<vmem>> -> memref<32x512xf32, #tpu.memory_space<vmem>>
      %dma_start3A_296 = arith.constant 0 : i32
      %dma_start3A_297 = tpu.memref_slice %arg4[%add3A_290, %dma_start3A_296] : memref<131072x512xf32, #tpu.memory_space<hbm>> -> memref<32x512xf32, #tpu.memory_space<hbm>>
      %dma_start3A_298 = arith.constant 0 : i32
      %dma_start3A_299 = tpu.memref_slice %arg4[%add3A_290, %dma_start3A_298] : memref<131072x512xf32, #tpu.memory_space<hbm>> -> memref<32x512xf32, #tpu.memory_space<hbm>>
      %dma_start3A_300 = arith.constant 0 : i32
      %dma_start3A_301 = arith.constant 0 : i32
      %dma_start3A_302 = tpu.memref_slice %arg6[%dma_start3A_291, %dma_start3A_300, %dma_start3A_301] : memref<4x32x512xf32, #tpu.memory_space<vmem>> -> memref<1x32x512xf32, #tpu.memory_space<vmem>>
      %dma_start3A_303 = tpu.memref_squeeze %dma_start3A_302 : memref<1x32x512xf32, #tpu.memory_space<vmem>> -> memref<32x512xf32, #tpu.memory_space<vmem>>
      tpu.enqueue_dma source(%dma_start3A_303 : memref<32x512xf32, #tpu.memory_space<vmem>>) target(%dma_start3A_299 : memref<32x512xf32, #tpu.memory_space<hbm>>) target_semaphore(%arg8 : memref<!tpu.dma_semaphore, #tpu.memory_space<semaphore_mem>>)
      %dma_wait3A_304 = arith.constant 1 : i32
      %dma_wait3A_305 = arith.constant 0 : i32
      %dma_wait3A_306 = arith.constant 0 : i32
      %dma_wait3A_307 = tpu.memref_slice %arg6[%dma_wait3A_304, %dma_wait3A_305, %dma_wait3A_306] : memref<4x32x512xf32, #tpu.memory_space<vmem>> -> memref<1x32x512xf32, #tpu.memory_space<vmem>>
      %dma_wait3A_308 = tpu.memref_squeeze %dma_wait3A_307 : memref<1x32x512xf32, #tpu.memory_space<vmem>> -> memref<32x512xf32, #tpu.memory_space<vmem>>
      %dma_wait3A_309 = arith.constant 0 : i32
      %dma_wait3A_310 = tpu.memref_slice %arg4[%mul3A_2, %dma_wait3A_309] : memref<131072x512xf32, #tpu.memory_space<hbm>> -> memref<32x512xf32, #tpu.memory_space<hbm>>
      %dma_wait3A_311 = arith.constant 0 : i32
      %dma_wait3A_312 = tpu.memref_slice %arg4[%mul3A_2, %dma_wait3A_311] : memref<131072x512xf32, #tpu.memory_space<hbm>> -> memref<32x512xf32, #tpu.memory_space<hbm>>
      %dma_wait3A_313 = arith.constant 0 : i32
      %dma_wait3A_314 = arith.constant 0 : i32
      %dma_wait3A_315 = tpu.memref_slice %arg6[%dma_wait3A_304, %dma_wait3A_313, %dma_wait3A_314] : memref<4x32x512xf32, #tpu.memory_space<vmem>> -> memref<1x32x512xf32, #tpu.memory_space<vmem>>
      %dma_wait3A_316 = tpu.memref_squeeze %dma_wait3A_315 : memref<1x32x512xf32, #tpu.memory_space<vmem>> -> memref<32x512xf32, #tpu.memory_space<vmem>>
      tpu.wait_dma2 semaphore(%arg8 : memref<!tpu.dma_semaphore, #tpu.memory_space<semaphore_mem>>) src(%dma_wait3A_316 : memref<32x512xf32, #tpu.memory_space<vmem>>) dst(%dma_wait3A_312 : memref<32x512xf32, #tpu.memory_space<hbm>>)
      %add3A_317 = arith.constant 3 : i32
      %add3A_318 = arith.addi %add3A_275, %add3A_317 : i32
      %dma_start3A_319 = arith.constant 1 : i32
      %dma_start3A_320 = arith.constant 0 : i32
      %dma_start3A_321 = arith.constant 0 : i32
      %dma_start3A_322 = tpu.memref_slice %arg6[%dma_start3A_319, %dma_start3A_320, %dma_start3A_321] : memref<4x32x512xf32, #tpu.memory_space<vmem>> -> memref<1x32x512xf32, #tpu.memory_space<vmem>>
      %dma_start3A_323 = tpu.memref_squeeze %dma_start3A_322 : memref<1x32x512xf32, #tpu.memory_space<vmem>> -> memref<32x512xf32, #tpu.memory_space<vmem>>
      %dma_start3A_324 = arith.constant 0 : i32
      %dma_start3A_325 = tpu.memref_slice %arg5[%add3A_318, %dma_start3A_324] : memref<128x32xi32, #tpu.memory_space<vmem>> -> memref<1x32xi32, #tpu.memory_space<vmem>>
      %dma_start3A_326 = tpu.memref_squeeze %dma_start3A_325 : memref<1x32xi32, #tpu.memory_space<vmem>> -> memref<32xi32, #tpu.memory_space<vmem>>
      %dma_start3A_327 = arith.constant 0 : i32
      %dma_start3A_328 = arith.constant 0 : i32
      %dma_start3A_329 = tpu.memref_slice %arg3[%dma_start3A_327, %dma_start3A_328] : memref<32768x512xf32, #tpu.memory_space<hbm>> -> memref<32768x512xf32, #tpu.memory_space<hbm>>
      tpu.enqueue_indirect_dma source(%dma_start3A_329 : memref<32768x512xf32, #tpu.memory_space<hbm>>) target(%dma_start3A_323 : memref<32x512xf32, #tpu.memory_space<vmem>>) offsets(%dma_start3A_326 : memref<32xi32, #tpu.memory_space<vmem>>) semaphore(%arg7 : memref<!tpu.dma_semaphore, #tpu.memory_space<semaphore_mem>>)
      %add3A_330 = arith.constant 2 : i32
      %add3A_331 = arith.addi %add3A_217, %add3A_330 : i32
      %dma_wait3A_332 = arith.constant 0 : i32
      %dma_wait3A_333 = arith.constant 3 : i32
      %dma_wait3A_334 = arith.constant 0 : i32
      %dma_wait3A_335 = arith.constant 0 : i32
      %dma_wait3A_336 = tpu.memref_slice %arg6[%dma_wait3A_333, %dma_wait3A_334, %dma_wait3A_335] : memref<4x32x512xf32, #tpu.memory_space<vmem>> -> memref<1x32x512xf32, #tpu.memory_space<vmem>>
      %dma_wait3A_337 = tpu.memref_squeeze %dma_wait3A_336 : memref<1x32x512xf32, #tpu.memory_space<vmem>> -> memref<32x512xf32, #tpu.memory_space<vmem>>
      %dma_wait3A_338 = arith.constant 0 : i32
      %dma_wait3A_339 = tpu.memref_slice %arg5[%dma_wait3A_332, %dma_wait3A_338] : memref<128x32xi32, #tpu.memory_space<vmem>> -> memref<1x32xi32, #tpu.memory_space<vmem>>
      %dma_wait3A_340 = tpu.memref_squeeze %dma_wait3A_339 : memref<1x32xi32, #tpu.memory_space<vmem>> -> memref<32xi32, #tpu.memory_space<vmem>>
      %dma_wait3A_341 = arith.constant 0 : i32
      %dma_wait3A_342 = arith.constant 0 : i32
      %dma_wait3A_343 = tpu.memref_slice %arg3[%dma_wait3A_341, %dma_wait3A_342] : memref<32768x512xf32, #tpu.memory_space<hbm>> -> memref<32768x512xf32, #tpu.memory_space<hbm>>
      tpu.wait_indirect_dma semaphore(%arg7 : memref<!tpu.dma_semaphore, #tpu.memory_space<semaphore_mem>>) src(%dma_wait3A_343 : memref<32768x512xf32, #tpu.memory_space<hbm>>) dst(%dma_wait3A_337 : memref<32x512xf32, #tpu.memory_space<vmem>>)
      %mul3A_344 = arith.constant 32 : i32
      %mul3A_345 = arith.muli %add3A_331, %mul3A_344 : i32
      %add3A_346 = arith.addi %mul3A_2, %mul3A_345 : i32
      %dma_start3A_347 = arith.constant 3 : i32
      %dma_start3A_348 = arith.constant 0 : i32
      %dma_start3A_349 = arith.constant 0 : i32
      %dma_start3A_350 = tpu.memref_slice %arg6[%dma_start3A_347, %dma_start3A_348, %dma_start3A_349] : memref<4x32x512xf32, #tpu.memory_space<vmem>> -> memref<1x32x512xf32, #tpu.memory_space<vmem>>
      %dma_start3A_351 = tpu.memref_squeeze %dma_start3A_350 : memref<1x32x512xf32, #tpu.memory_space<vmem>> -> memref<32x512xf32, #tpu.memory_space<vmem>>
      %dma_start3A_352 = arith.constant 0 : i32
      %dma_start3A_353 = tpu.memref_slice %arg4[%add3A_346, %dma_start3A_352] : memref<131072x512xf32, #tpu.memory_space<hbm>> -> memref<32x512xf32, #tpu.memory_space<hbm>>
      %dma_start3A_354 = arith.constant 0 : i32
      %dma_start3A_355 = tpu.memref_slice %arg4[%add3A_346, %dma_start3A_354] : memref<131072x512xf32, #tpu.memory_space<hbm>> -> memref<32x512xf32, #tpu.memory_space<hbm>>
      %dma_start3A_356 = arith.constant 0 : i32
      %dma_start3A_357 = arith.constant 0 : i32
      %dma_start3A_358 = tpu.memref_slice %arg6[%dma_start3A_347, %dma_start3A_356, %dma_start3A_357] : memref<4x32x512xf32, #tpu.memory_space<vmem>> -> memref<1x32x512xf32, #tpu.memory_space<vmem>>
      %dma_start3A_359 = tpu.memref_squeeze %dma_start3A_358 : memref<1x32x512xf32, #tpu.memory_space<vmem>> -> memref<32x512xf32, #tpu.memory_space<vmem>>
      tpu.enqueue_dma source(%dma_start3A_359 : memref<32x512xf32, #tpu.memory_space<vmem>>) target(%dma_start3A_355 : memref<32x512xf32, #tpu.memory_space<hbm>>) target_semaphore(%arg8 : memref<!tpu.dma_semaphore, #tpu.memory_space<semaphore_mem>>)
      %dma_wait3A_360 = arith.constant 2 : i32
      %dma_wait3A_361 = arith.constant 0 : i32
      %dma_wait3A_362 = arith.constant 0 : i32
      %dma_wait3A_363 = tpu.memref_slice %arg6[%dma_wait3A_360, %dma_wait3A_361, %dma_wait3A_362] : memref<4x32x512xf32, #tpu.memory_space<vmem>> -> memref<1x32x512xf32, #tpu.memory_space<vmem>>
      %dma_wait3A_364 = tpu.memref_squeeze %dma_wait3A_363 : memref<1x32x512xf32, #tpu.memory_space<vmem>> -> memref<32x512xf32, #tpu.memory_space<vmem>>
      %dma_wait3A_365 = arith.constant 0 : i32
      %dma_wait3A_366 = tpu.memref_slice %arg4[%mul3A_2, %dma_wait3A_365] : memref<131072x512xf32, #tpu.memory_space<hbm>> -> memref<32x512xf32, #tpu.memory_space<hbm>>
      %dma_wait3A_367 = arith.constant 0 : i32
      %dma_wait3A_368 = tpu.memref_slice %arg4[%mul3A_2, %dma_wait3A_367] : memref<131072x512xf32, #tpu.memory_space<hbm>> -> memref<32x512xf32, #tpu.memory_space<hbm>>
      %dma_wait3A_369 = arith.constant 0 : i32
      %dma_wait3A_370 = arith.constant 0 : i32
      %dma_wait3A_371 = tpu.memref_slice %arg6[%dma_wait3A_360, %dma_wait3A_369, %dma_wait3A_370] : memref<4x32x512xf32, #tpu.memory_space<vmem>> -> memref<1x32x512xf32, #tpu.memory_space<vmem>>
      %dma_wait3A_372 = tpu.memref_squeeze %dma_wait3A_371 : memref<1x32x512xf32, #tpu.memory_space<vmem>> -> memref<32x512xf32, #tpu.memory_space<vmem>>
      tpu.wait_dma2 semaphore(%arg8 : memref<!tpu.dma_semaphore, #tpu.memory_space<semaphore_mem>>) src(%dma_wait3A_372 : memref<32x512xf32, #tpu.memory_space<vmem>>) dst(%dma_wait3A_368 : memref<32x512xf32, #tpu.memory_space<hbm>>)
      %add3A_373 = arith.constant 3 : i32
      %add3A_374 = arith.addi %add3A_331, %add3A_373 : i32
      %dma_start3A_375 = arith.constant 2 : i32
      %dma_start3A_376 = arith.constant 0 : i32
      %dma_start3A_377 = arith.constant 0 : i32
      %dma_start3A_378 = tpu.memref_slice %arg6[%dma_start3A_375, %dma_start3A_376, %dma_start3A_377] : memref<4x32x512xf32, #tpu.memory_space<vmem>> -> memref<1x32x512xf32, #tpu.memory_space<vmem>>
      %dma_start3A_379 = tpu.memref_squeeze %dma_start3A_378 : memref<1x32x512xf32, #tpu.memory_space<vmem>> -> memref<32x512xf32, #tpu.memory_space<vmem>>
      %dma_start3A_380 = arith.constant 0 : i32
      %dma_start3A_381 = tpu.memref_slice %arg5[%add3A_374, %dma_start3A_380] : memref<128x32xi32, #tpu.memory_space<vmem>> -> memref<1x32xi32, #tpu.memory_space<vmem>>
      %dma_start3A_382 = tpu.memref_squeeze %dma_start3A_381 : memref<1x32xi32, #tpu.memory_space<vmem>> -> memref<32xi32, #tpu.memory_space<vmem>>
      %dma_start3A_383 = arith.constant 0 : i32
      %dma_start3A_384 = arith.constant 0 : i32
      %dma_start3A_385 = tpu.memref_slice %arg3[%dma_start3A_383, %dma_start3A_384] : memref<32768x512xf32, #tpu.memory_space<hbm>> -> memref<32768x512xf32, #tpu.memory_space<hbm>>
      tpu.enqueue_indirect_dma source(%dma_start3A_385 : memref<32768x512xf32, #tpu.memory_space<hbm>>) target(%dma_start3A_379 : memref<32x512xf32, #tpu.memory_space<vmem>>) offsets(%dma_start3A_382 : memref<32xi32, #tpu.memory_space<vmem>>) semaphore(%arg7 : memref<!tpu.dma_semaphore, #tpu.memory_space<semaphore_mem>>)
      %add3A_386 = arith.constant 3 : i32
      %add3A_387 = arith.addi %add3A_217, %add3A_386 : i32
      %dma_wait3A_388 = arith.constant 0 : i32
      %dma_wait3A_389 = arith.constant 0 : i32
      %dma_wait3A_390 = arith.constant 0 : i32
      %dma_wait3A_391 = arith.constant 0 : i32
      %dma_wait3A_392 = tpu.memref_slice %arg6[%dma_wait3A_389, %dma_wait3A_390, %dma_wait3A_391] : memref<4x32x512xf32, #tpu.memory_space<vmem>> -> memref<1x32x512xf32, #tpu.memory_space<vmem>>
      %dma_wait3A_393 = tpu.memref_squeeze %dma_wait3A_392 : memref<1x32x512xf32, #tpu.memory_space<vmem>> -> memref<32x512xf32, #tpu.memory_space<vmem>>
      %dma_wait3A_394 = arith.constant 0 : i32
      %dma_wait3A_395 = tpu.memref_slice %arg5[%dma_wait3A_388, %dma_wait3A_394] : memref<128x32xi32, #tpu.memory_space<vmem>> -> memref<1x32xi32, #tpu.memory_space<vmem>>
      %dma_wait3A_396 = tpu.memref_squeeze %dma_wait3A_395 : memref<1x32xi32, #tpu.memory_space<vmem>> -> memref<32xi32, #tpu.memory_space<vmem>>
      %dma_wait3A_397 = arith.constant 0 : i32
      %dma_wait3A_398 = arith.constant 0 : i32
      %dma_wait3A_399 = tpu.memref_slice %arg3[%dma_wait3A_397, %dma_wait3A_398] : memref<32768x512xf32, #tpu.memory_space<hbm>> -> memref<32768x512xf32, #tpu.memory_space<hbm>>
      tpu.wait_indirect_dma semaphore(%arg7 : memref<!tpu.dma_semaphore, #tpu.memory_space<semaphore_mem>>) src(%dma_wait3A_399 : memref<32768x512xf32, #tpu.memory_space<hbm>>) dst(%dma_wait3A_393 : memref<32x512xf32, #tpu.memory_space<vmem>>)
      %mul3A_400 = arith.constant 32 : i32
      %mul3A_401 = arith.muli %add3A_387, %mul3A_400 : i32
      %add3A_402 = arith.addi %mul3A_2, %mul3A_401 : i32
      %dma_start3A_403 = arith.constant 0 : i32
      %dma_start3A_404 = arith.constant 0 : i32
      %dma_start3A_405 = arith.constant 0 : i32
      %dma_start3A_406 = tpu.memref_slice %arg6[%dma_start3A_403, %dma_start3A_404, %dma_start3A_405] : memref<4x32x512xf32, #tpu.memory_space<vmem>> -> memref<1x32x512xf32, #tpu.memory_space<vmem>>
      %dma_start3A_407 = tpu.memref_squeeze %dma_start3A_406 : memref<1x32x512xf32, #tpu.memory_space<vmem>> -> memref<32x512xf32, #tpu.memory_space<vmem>>
      %dma_start3A_408 = arith.constant 0 : i32
      %dma_start3A_409 = tpu.memref_slice %arg4[%add3A_402, %dma_start3A_408] : memref<131072x512xf32, #tpu.memory_space<hbm>> -> memref<32x512xf32, #tpu.memory_space<hbm>>
      %dma_start3A_410 = arith.constant 0 : i32
      %dma_start3A_411 = tpu.memref_slice %arg4[%add3A_402, %dma_start3A_410] : memref<131072x512xf32, #tpu.memory_space<hbm>> -> memref<32x512xf32, #tpu.memory_space<hbm>>
      %dma_start3A_412 = arith.constant 0 : i32
      %dma_start3A_413 = arith.constant 0 : i32
      %dma_start3A_414 = tpu.memref_slice %arg6[%dma_start3A_403, %dma_start3A_412, %dma_start3A_413] : memref<4x32x512xf32, #tpu.memory_space<vmem>> -> memref<1x32x512xf32, #tpu.memory_space<vmem>>
      %dma_start3A_415 = tpu.memref_squeeze %dma_start3A_414 : memref<1x32x512xf32, #tpu.memory_space<vmem>> -> memref<32x512xf32, #tpu.memory_space<vmem>>
      tpu.enqueue_dma source(%dma_start3A_415 : memref<32x512xf32, #tpu.memory_space<vmem>>) target(%dma_start3A_411 : memref<32x512xf32, #tpu.memory_space<hbm>>) target_semaphore(%arg8 : memref<!tpu.dma_semaphore, #tpu.memory_space<semaphore_mem>>)
      %dma_wait3A_416 = arith.constant 3 : i32
      %dma_wait3A_417 = arith.constant 0 : i32
      %dma_wait3A_418 = arith.constant 0 : i32
      %dma_wait3A_419 = tpu.memref_slice %arg6[%dma_wait3A_416, %dma_wait3A_417, %dma_wait3A_418] : memref<4x32x512xf32, #tpu.memory_space<vmem>> -> memref<1x32x512xf32, #tpu.memory_space<vmem>>
      %dma_wait3A_420 = tpu.memref_squeeze %dma_wait3A_419 : memref<1x32x512xf32, #tpu.memory_space<vmem>> -> memref<32x512xf32, #tpu.memory_space<vmem>>
      %dma_wait3A_421 = arith.constant 0 : i32
      %dma_wait3A_422 = tpu.memref_slice %arg4[%mul3A_2, %dma_wait3A_421] : memref<131072x512xf32, #tpu.memory_space<hbm>> -> memref<32x512xf32, #tpu.memory_space<hbm>>
      %dma_wait3A_423 = arith.constant 0 : i32
      %dma_wait3A_424 = tpu.memref_slice %arg4[%mul3A_2, %dma_wait3A_423] : memref<131072x512xf32, #tpu.memory_space<hbm>> -> memref<32x512xf32, #tpu.memory_space<hbm>>
      %dma_wait3A_425 = arith.constant 0 : i32
      %dma_wait3A_426 = arith.constant 0 : i32
      %dma_wait3A_427 = tpu.memref_slice %arg6[%dma_wait3A_416, %dma_wait3A_425, %dma_wait3A_426] : memref<4x32x512xf32, #tpu.memory_space<vmem>> -> memref<1x32x512xf32, #tpu.memory_space<vmem>>
      %dma_wait3A_428 = tpu.memref_squeeze %dma_wait3A_427 : memref<1x32x512xf32, #tpu.memory_space<vmem>> -> memref<32x512xf32, #tpu.memory_space<vmem>>
      tpu.wait_dma2 semaphore(%arg8 : memref<!tpu.dma_semaphore, #tpu.memory_space<semaphore_mem>>) src(%dma_wait3A_428 : memref<32x512xf32, #tpu.memory_space<vmem>>) dst(%dma_wait3A_424 : memref<32x512xf32, #tpu.memory_space<hbm>>)
      %add3A_429 = arith.constant 3 : i32
      %add3A_430 = arith.addi %add3A_387, %add3A_429 : i32
      %dma_start3A_431 = arith.constant 3 : i32
      %dma_start3A_432 = arith.constant 0 : i32
      %dma_start3A_433 = arith.constant 0 : i32
      %dma_start3A_434 = tpu.memref_slice %arg6[%dma_start3A_431, %dma_start3A_432, %dma_start3A_433] : memref<4x32x512xf32, #tpu.memory_space<vmem>> -> memref<1x32x512xf32, #tpu.memory_space<vmem>>
      %dma_start3A_435 = tpu.memref_squeeze %dma_start3A_434 : memref<1x32x512xf32, #tpu.memory_space<vmem>> -> memref<32x512xf32, #tpu.memory_space<vmem>>
      %dma_start3A_436 = arith.constant 0 : i32
      %dma_start3A_437 = tpu.memref_slice %arg5[%add3A_430, %dma_start3A_436] : memref<128x32xi32, #tpu.memory_space<vmem>> -> memref<1x32xi32, #tpu.memory_space<vmem>>
      %dma_start3A_438 = tpu.memref_squeeze %dma_start3A_437 : memref<1x32xi32, #tpu.memory_space<vmem>> -> memref<32xi32, #tpu.memory_space<vmem>>
      %dma_start3A_439 = arith.constant 0 : i32
      %dma_start3A_440 = arith.constant 0 : i32
      %dma_start3A_441 = tpu.memref_slice %arg3[%dma_start3A_439, %dma_start3A_440] : memref<32768x512xf32, #tpu.memory_space<hbm>> -> memref<32768x512xf32, #tpu.memory_space<hbm>>
      tpu.enqueue_indirect_dma source(%dma_start3A_441 : memref<32768x512xf32, #tpu.memory_space<hbm>>) target(%dma_start3A_435 : memref<32x512xf32, #tpu.memory_space<vmem>>) offsets(%dma_start3A_438 : memref<32xi32, #tpu.memory_space<vmem>>) semaphore(%arg7 : memref<!tpu.dma_semaphore, #tpu.memory_space<semaphore_mem>>)
    }
    %scan3A_79 = arith.constant 31 : i32
    %dma_wait3A_80 = arith.constant 0 : i32
    %dma_wait3A_81 = arith.constant 1 : i32
    %dma_wait3A_82 = arith.constant 0 : i32
    %dma_wait3A_83 = arith.constant 0 : i32
    %dma_wait3A_84 = tpu.memref_slice %arg6[%dma_wait3A_81, %dma_wait3A_82, %dma_wait3A_83] : memref<4x32x512xf32, #tpu.memory_space<vmem>> -> memref<1x32x512xf32, #tpu.memory_space<vmem>>
    %dma_wait3A_85 = tpu.memref_squeeze %dma_wait3A_84 : memref<1x32x512xf32, #tpu.memory_space<vmem>> -> memref<32x512xf32, #tpu.memory_space<vmem>>
    %dma_wait3A_86 = arith.constant 0 : i32
    %dma_wait3A_87 = tpu.memref_slice %arg5[%dma_wait3A_80, %dma_wait3A_86] : memref<128x32xi32, #tpu.memory_space<vmem>> -> memref<1x32xi32, #tpu.memory_space<vmem>>
    %dma_wait3A_88 = tpu.memref_squeeze %dma_wait3A_87 : memref<1x32xi32, #tpu.memory_space<vmem>> -> memref<32xi32, #tpu.memory_space<vmem>>
    %dma_wait3A_89 = arith.constant 0 : i32
    %dma_wait3A_90 = arith.constant 0 : i32
    %dma_wait3A_91 = tpu.memref_slice %arg3[%dma_wait3A_89, %dma_wait3A_90] : memref<32768x512xf32, #tpu.memory_space<hbm>> -> memref<32768x512xf32, #tpu.memory_space<hbm>>
    tpu.wait_indirect_dma semaphore(%arg7 : memref<!tpu.dma_semaphore, #tpu.memory_space<semaphore_mem>>) src(%dma_wait3A_91 : memref<32768x512xf32, #tpu.memory_space<hbm>>) dst(%dma_wait3A_85 : memref<32x512xf32, #tpu.memory_space<vmem>>)
    %add3A_92 = arith.constant 4000 : i32
    %add3A_93 = arith.addi %mul3A_2, %add3A_92 : i32
    %dma_start3A_94 = arith.constant 1 : i32
    %dma_start3A_95 = arith.constant 0 : i32
    %dma_start3A_96 = arith.constant 0 : i32
    %dma_start3A_97 = tpu.memref_slice %arg6[%dma_start3A_94, %dma_start3A_95, %dma_start3A_96] : memref<4x32x512xf32, #tpu.memory_space<vmem>> -> memref<1x32x512xf32, #tpu.memory_space<vmem>>
    %dma_start3A_98 = tpu.memref_squeeze %dma_start3A_97 : memref<1x32x512xf32, #tpu.memory_space<vmem>> -> memref<32x512xf32, #tpu.memory_space<vmem>>
    %dma_start3A_99 = arith.constant 0 : i32
    %dma_start3A_100 = tpu.memref_slice %arg4[%add3A_93, %dma_start3A_99] : memref<131072x512xf32, #tpu.memory_space<hbm>> -> memref<32x512xf32, #tpu.memory_space<hbm>>
    %dma_start3A_101 = arith.constant 0 : i32
    %dma_start3A_102 = tpu.memref_slice %arg4[%add3A_93, %dma_start3A_101] : memref<131072x512xf32, #tpu.memory_space<hbm>> -> memref<32x512xf32, #tpu.memory_space<hbm>>
    %dma_start3A_103 = arith.constant 0 : i32
    %dma_start3A_104 = arith.constant 0 : i32
    %dma_start3A_105 = tpu.memref_slice %arg6[%dma_start3A_94, %dma_start3A_103, %dma_start3A_104] : memref<4x32x512xf32, #tpu.memory_space<vmem>> -> memref<1x32x512xf32, #tpu.memory_space<vmem>>
    %dma_start3A_106 = tpu.memref_squeeze %dma_start3A_105 : memref<1x32x512xf32, #tpu.memory_space<vmem>> -> memref<32x512xf32, #tpu.memory_space<vmem>>
    tpu.enqueue_dma source(%dma_start3A_106 : memref<32x512xf32, #tpu.memory_space<vmem>>) target(%dma_start3A_102 : memref<32x512xf32, #tpu.memory_space<hbm>>) target_semaphore(%arg8 : memref<!tpu.dma_semaphore, #tpu.memory_space<semaphore_mem>>)
    %dma_wait3A_107 = arith.constant 0 : i32
    %dma_wait3A_108 = arith.constant 0 : i32
    %dma_wait3A_109 = arith.constant 0 : i32
    %dma_wait3A_110 = tpu.memref_slice %arg6[%dma_wait3A_107, %dma_wait3A_108, %dma_wait3A_109] : memref<4x32x512xf32, #tpu.memory_space<vmem>> -> memref<1x32x512xf32, #tpu.memory_space<vmem>>
    %dma_wait3A_111 = tpu.memref_squeeze %dma_wait3A_110 : memref<1x32x512xf32, #tpu.memory_space<vmem>> -> memref<32x512xf32, #tpu.memory_space<vmem>>
    %dma_wait3A_112 = arith.constant 0 : i32
    %dma_wait3A_113 = tpu.memref_slice %arg4[%mul3A_2, %dma_wait3A_112] : memref<131072x512xf32, #tpu.memory_space<hbm>> -> memref<32x512xf32, #tpu.memory_space<hbm>>
    %dma_wait3A_114 = arith.constant 0 : i32
    %dma_wait3A_115 = tpu.memref_slice %arg4[%mul3A_2, %dma_wait3A_114] : memref<131072x512xf32, #tpu.memory_space<hbm>> -> memref<32x512xf32, #tpu.memory_space<hbm>>
    %dma_wait3A_116 = arith.constant 0 : i32
    %dma_wait3A_117 = arith.constant 0 : i32
    %dma_wait3A_118 = tpu.memref_slice %arg6[%dma_wait3A_107, %dma_wait3A_116, %dma_wait3A_117] : memref<4x32x512xf32, #tpu.memory_space<vmem>> -> memref<1x32x512xf32, #tpu.memory_space<vmem>>
    %dma_wait3A_119 = tpu.memref_squeeze %dma_wait3A_118 : memref<1x32x512xf32, #tpu.memory_space<vmem>> -> memref<32x512xf32, #tpu.memory_space<vmem>>
    tpu.wait_dma2 semaphore(%arg8 : memref<!tpu.dma_semaphore, #tpu.memory_space<semaphore_mem>>) src(%dma_wait3A_119 : memref<32x512xf32, #tpu.memory_space<vmem>>) dst(%dma_wait3A_115 : memref<32x512xf32, #tpu.memory_space<hbm>>)
    %dma_wait3A_120 = arith.constant 0 : i32
    %dma_wait3A_121 = arith.constant 2 : i32
    %dma_wait3A_122 = arith.constant 0 : i32
    %dma_wait3A_123 = arith.constant 0 : i32
    %dma_wait3A_124 = tpu.memref_slice %arg6[%dma_wait3A_121, %dma_wait3A_122, %dma_wait3A_123] : memref<4x32x512xf32, #tpu.memory_space<vmem>> -> memref<1x32x512xf32, #tpu.memory_space<vmem>>
    %dma_wait3A_125 = tpu.memref_squeeze %dma_wait3A_124 : memref<1x32x512xf32, #tpu.memory_space<vmem>> -> memref<32x512xf32, #tpu.memory_space<vmem>>
    %dma_wait3A_126 = arith.constant 0 : i32
    %dma_wait3A_127 = tpu.memref_slice %arg5[%dma_wait3A_120, %dma_wait3A_126] : memref<128x32xi32, #tpu.memory_space<vmem>> -> memref<1x32xi32, #tpu.memory_space<vmem>>
    %dma_wait3A_128 = tpu.memref_squeeze %dma_wait3A_127 : memref<1x32xi32, #tpu.memory_space<vmem>> -> memref<32xi32, #tpu.memory_space<vmem>>
    %dma_wait3A_129 = arith.constant 0 : i32
    %dma_wait3A_130 = arith.constant 0 : i32
    %dma_wait3A_131 = tpu.memref_slice %arg3[%dma_wait3A_129, %dma_wait3A_130] : memref<32768x512xf32, #tpu.memory_space<hbm>> -> memref<32768x512xf32, #tpu.memory_space<hbm>>
    tpu.wait_indirect_dma semaphore(%arg7 : memref<!tpu.dma_semaphore, #tpu.memory_space<semaphore_mem>>) src(%dma_wait3A_131 : memref<32768x512xf32, #tpu.memory_space<hbm>>) dst(%dma_wait3A_125 : memref<32x512xf32, #tpu.memory_space<vmem>>)
    %add3A_132 = arith.constant 4032 : i32
    %add3A_133 = arith.addi %mul3A_2, %add3A_132 : i32
    %dma_start3A_134 = arith.constant 2 : i32
    %dma_start3A_135 = arith.constant 0 : i32
    %dma_start3A_136 = arith.constant 0 : i32
    %dma_start3A_137 = tpu.memref_slice %arg6[%dma_start3A_134, %dma_start3A_135, %dma_start3A_136] : memref<4x32x512xf32, #tpu.memory_space<vmem>> -> memref<1x32x512xf32, #tpu.memory_space<vmem>>
    %dma_start3A_138 = tpu.memref_squeeze %dma_start3A_137 : memref<1x32x512xf32, #tpu.memory_space<vmem>> -> memref<32x512xf32, #tpu.memory_space<vmem>>
    %dma_start3A_139 = arith.constant 0 : i32
    %dma_start3A_140 = tpu.memref_slice %arg4[%add3A_133, %dma_start3A_139] : memref<131072x512xf32, #tpu.memory_space<hbm>> -> memref<32x512xf32, #tpu.memory_space<hbm>>
    %dma_start3A_141 = arith.constant 0 : i32
    %dma_start3A_142 = tpu.memref_slice %arg4[%add3A_133, %dma_start3A_141] : memref<131072x512xf32, #tpu.memory_space<hbm>> -> memref<32x512xf32, #tpu.memory_space<hbm>>
    %dma_start3A_143 = arith.constant 0 : i32
    %dma_start3A_144 = arith.constant 0 : i32
    %dma_start3A_145 = tpu.memref_slice %arg6[%dma_start3A_134, %dma_start3A_143, %dma_start3A_144] : memref<4x32x512xf32, #tpu.memory_space<vmem>> -> memref<1x32x512xf32, #tpu.memory_space<vmem>>
    %dma_start3A_146 = tpu.memref_squeeze %dma_start3A_145 : memref<1x32x512xf32, #tpu.memory_space<vmem>> -> memref<32x512xf32, #tpu.memory_space<vmem>>
    tpu.enqueue_dma source(%dma_start3A_146 : memref<32x512xf32, #tpu.memory_space<vmem>>) target(%dma_start3A_142 : memref<32x512xf32, #tpu.memory_space<hbm>>) target_semaphore(%arg8 : memref<!tpu.dma_semaphore, #tpu.memory_space<semaphore_mem>>)
    %dma_wait3A_147 = arith.constant 1 : i32
    %dma_wait3A_148 = arith.constant 0 : i32
    %dma_wait3A_149 = arith.constant 0 : i32
    %dma_wait3A_150 = tpu.memref_slice %arg6[%dma_wait3A_147, %dma_wait3A_148, %dma_wait3A_149] : memref<4x32x512xf32, #tpu.memory_space<vmem>> -> memref<1x32x512xf32, #tpu.memory_space<vmem>>
    %dma_wait3A_151 = tpu.memref_squeeze %dma_wait3A_150 : memref<1x32x512xf32, #tpu.memory_space<vmem>> -> memref<32x512xf32, #tpu.memory_space<vmem>>
    %dma_wait3A_152 = arith.constant 0 : i32
    %dma_wait3A_153 = tpu.memref_slice %arg4[%mul3A_2, %dma_wait3A_152] : memref<131072x512xf32, #tpu.memory_space<hbm>> -> memref<32x512xf32, #tpu.memory_space<hbm>>
    %dma_wait3A_154 = arith.constant 0 : i32
    %dma_wait3A_155 = tpu.memref_slice %arg4[%mul3A_2, %dma_wait3A_154] : memref<131072x512xf32, #tpu.memory_space<hbm>> -> memref<32x512xf32, #tpu.memory_space<hbm>>
    %dma_wait3A_156 = arith.constant 0 : i32
    %dma_wait3A_157 = arith.constant 0 : i32
    %dma_wait3A_158 = tpu.memref_slice %arg6[%dma_wait3A_147, %dma_wait3A_156, %dma_wait3A_157] : memref<4x32x512xf32, #tpu.memory_space<vmem>> -> memref<1x32x512xf32, #tpu.memory_space<vmem>>
    %dma_wait3A_159 = tpu.memref_squeeze %dma_wait3A_158 : memref<1x32x512xf32, #tpu.memory_space<vmem>> -> memref<32x512xf32, #tpu.memory_space<vmem>>
    tpu.wait_dma2 semaphore(%arg8 : memref<!tpu.dma_semaphore, #tpu.memory_space<semaphore_mem>>) src(%dma_wait3A_159 : memref<32x512xf32, #tpu.memory_space<vmem>>) dst(%dma_wait3A_155 : memref<32x512xf32, #tpu.memory_space<hbm>>)
    %dma_wait3A_160 = arith.constant 0 : i32
    %dma_wait3A_161 = arith.constant 3 : i32
    %dma_wait3A_162 = arith.constant 0 : i32
    %dma_wait3A_163 = arith.constant 0 : i32
    %dma_wait3A_164 = tpu.memref_slice %arg6[%dma_wait3A_161, %dma_wait3A_162, %dma_wait3A_163] : memref<4x32x512xf32, #tpu.memory_space<vmem>> -> memref<1x32x512xf32, #tpu.memory_space<vmem>>
    %dma_wait3A_165 = tpu.memref_squeeze %dma_wait3A_164 : memref<1x32x512xf32, #tpu.memory_space<vmem>> -> memref<32x512xf32, #tpu.memory_space<vmem>>
    %dma_wait3A_166 = arith.constant 0 : i32
    %dma_wait3A_167 = tpu.memref_slice %arg5[%dma_wait3A_160, %dma_wait3A_166] : memref<128x32xi32, #tpu.memory_space<vmem>> -> memref<1x32xi32, #tpu.memory_space<vmem>>
    %dma_wait3A_168 = tpu.memref_squeeze %dma_wait3A_167 : memref<1x32xi32, #tpu.memory_space<vmem>> -> memref<32xi32, #tpu.memory_space<vmem>>
    %dma_wait3A_169 = arith.constant 0 : i32
    %dma_wait3A_170 = arith.constant 0 : i32
    %dma_wait3A_171 = tpu.memref_slice %arg3[%dma_wait3A_169, %dma_wait3A_170] : memref<32768x512xf32, #tpu.memory_space<hbm>> -> memref<32768x512xf32, #tpu.memory_space<hbm>>
    tpu.wait_indirect_dma semaphore(%arg7 : memref<!tpu.dma_semaphore, #tpu.memory_space<semaphore_mem>>) src(%dma_wait3A_171 : memref<32768x512xf32, #tpu.memory_space<hbm>>) dst(%dma_wait3A_165 : memref<32x512xf32, #tpu.memory_space<vmem>>)
    %add3A_172 = arith.constant 4064 : i32
    %add3A_173 = arith.addi %mul3A_2, %add3A_172 : i32
    %dma_start3A_174 = arith.constant 3 : i32
    %dma_start3A_175 = arith.constant 0 : i32
    %dma_start3A_176 = arith.constant 0 : i32
    %dma_start3A_177 = tpu.memref_slice %arg6[%dma_start3A_174, %dma_start3A_175, %dma_start3A_176] : memref<4x32x512xf32, #tpu.memory_space<vmem>> -> memref<1x32x512xf32, #tpu.memory_space<vmem>>
    %dma_start3A_178 = tpu.memref_squeeze %dma_start3A_177 : memref<1x32x512xf32, #tpu.memory_space<vmem>> -> memref<32x512xf32, #tpu.memory_space<vmem>>
    %dma_start3A_179 = arith.constant 0 : i32
    %dma_start3A_180 = tpu.memref_slice %arg4[%add3A_173, %dma_start3A_179] : memref<131072x512xf32, #tpu.memory_space<hbm>> -> memref<32x512xf32, #tpu.memory_space<hbm>>
    %dma_start3A_181 = arith.constant 0 : i32
    %dma_start3A_182 = tpu.memref_slice %arg4[%add3A_173, %dma_start3A_181] : memref<131072x512xf32, #tpu.memory_space<hbm>> -> memref<32x512xf32, #tpu.memory_space<hbm>>
    %dma_start3A_183 = arith.constant 0 : i32
    %dma_start3A_184 = arith.constant 0 : i32
    %dma_start3A_185 = tpu.memref_slice %arg6[%dma_start3A_174, %dma_start3A_183, %dma_start3A_184] : memref<4x32x512xf32, #tpu.memory_space<vmem>> -> memref<1x32x512xf32, #tpu.memory_space<vmem>>
    %dma_start3A_186 = tpu.memref_squeeze %dma_start3A_185 : memref<1x32x512xf32, #tpu.memory_space<vmem>> -> memref<32x512xf32, #tpu.memory_space<vmem>>
    tpu.enqueue_dma source(%dma_start3A_186 : memref<32x512xf32, #tpu.memory_space<vmem>>) target(%dma_start3A_182 : memref<32x512xf32, #tpu.memory_space<hbm>>) target_semaphore(%arg8 : memref<!tpu.dma_semaphore, #tpu.memory_space<semaphore_mem>>)
    %dma_wait3A_187 = arith.constant 2 : i32
    %dma_wait3A_188 = arith.constant 0 : i32
    %dma_wait3A_189 = arith.constant 0 : i32
    %dma_wait3A_190 = tpu.memref_slice %arg6[%dma_wait3A_187, %dma_wait3A_188, %dma_wait3A_189] : memref<4x32x512xf32, #tpu.memory_space<vmem>> -> memref<1x32x512xf32, #tpu.memory_space<vmem>>
    %dma_wait3A_191 = tpu.memref_squeeze %dma_wait3A_190 : memref<1x32x512xf32, #tpu.memory_space<vmem>> -> memref<32x512xf32, #tpu.memory_space<vmem>>
    %dma_wait3A_192 = arith.constant 0 : i32
    %dma_wait3A_193 = tpu.memref_slice %arg4[%mul3A_2, %dma_wait3A_192] : memref<131072x512xf32, #tpu.memory_space<hbm>> -> memref<32x512xf32, #tpu.memory_space<hbm>>
    %dma_wait3A_194 = arith.constant 0 : i32
    %dma_wait3A_195 = tpu.memref_slice %arg4[%mul3A_2, %dma_wait3A_194] : memref<131072x512xf32, #tpu.memory_space<hbm>> -> memref<32x512xf32, #tpu.memory_space<hbm>>
    %dma_wait3A_196 = arith.constant 0 : i32
    %dma_wait3A_197 = arith.constant 0 : i32
    %dma_wait3A_198 = tpu.memref_slice %arg6[%dma_wait3A_187, %dma_wait3A_196, %dma_wait3A_197] : memref<4x32x512xf32, #tpu.memory_space<vmem>> -> memref<1x32x512xf32, #tpu.memory_space<vmem>>
    %dma_wait3A_199 = tpu.memref_squeeze %dma_wait3A_198 : memref<1x32x512xf32, #tpu.memory_space<vmem>> -> memref<32x512xf32, #tpu.memory_space<vmem>>
    tpu.wait_dma2 semaphore(%arg8 : memref<!tpu.dma_semaphore, #tpu.memory_space<semaphore_mem>>) src(%dma_wait3A_199 : memref<32x512xf32, #tpu.memory_space<vmem>>) dst(%dma_wait3A_195 : memref<32x512xf32, #tpu.memory_space<hbm>>)
    %dma_wait3A_200 = arith.constant 3 : i32
    %dma_wait3A_201 = arith.constant 0 : i32
    %dma_wait3A_202 = arith.constant 0 : i32
    %dma_wait3A_203 = tpu.memref_slice %arg6[%dma_wait3A_200, %dma_wait3A_201, %dma_wait3A_202] : memref<4x32x512xf32, #tpu.memory_space<vmem>> -> memref<1x32x512xf32, #tpu.memory_space<vmem>>
    %dma_wait3A_204 = tpu.memref_squeeze %dma_wait3A_203 : memref<1x32x512xf32, #tpu.memory_space<vmem>> -> memref<32x512xf32, #tpu.memory_space<vmem>>
    %dma_wait3A_205 = arith.constant 0 : i32
    %dma_wait3A_206 = tpu.memref_slice %arg4[%mul3A_2, %dma_wait3A_205] : memref<131072x512xf32, #tpu.memory_space<hbm>> -> memref<32x512xf32, #tpu.memory_space<hbm>>
    %dma_wait3A_207 = arith.constant 0 : i32
    %dma_wait3A_208 = tpu.memref_slice %arg4[%mul3A_2, %dma_wait3A_207] : memref<131072x512xf32, #tpu.memory_space<hbm>> -> memref<32x512xf32, #tpu.memory_space<hbm>>
    %dma_wait3A_209 = arith.constant 0 : i32
    %dma_wait3A_210 = arith.constant 0 : i32
    %dma_wait3A_211 = tpu.memref_slice %arg6[%dma_wait3A_200, %dma_wait3A_209, %dma_wait3A_210] : memref<4x32x512xf32, #tpu.memory_space<vmem>> -> memref<1x32x512xf32, #tpu.memory_space<vmem>>
    %dma_wait3A_212 = tpu.memref_squeeze %dma_wait3A_211 : memref<1x32x512xf32, #tpu.memory_space<vmem>> -> memref<32x512xf32, #tpu.memory_space<vmem>>
    tpu.wait_dma2 semaphore(%arg8 : memref<!tpu.dma_semaphore, #tpu.memory_space<semaphore_mem>>) src(%dma_wait3A_212 : memref<32x512xf32, #tpu.memory_space<vmem>>) dst(%dma_wait3A_208 : memref<32x512xf32, #tpu.memory_space<hbm>>)
    return
  }
}

</mosaic_0001>

<sc_bundles>
// kernel: kernel.3.cloned.1.call-start
scs
__scs_entry_jumppad:
0x0: {  	(pc) =	sbr.rel $0x88, $3  }
0x1: {  	(tag) =	ssettag $0x0;
	lr =	simm.s32 $0x1  }
0x2: {  	[smem:$0x3F9F] =	sst lr;
	_ =	strace $0xD0000000  }
0x3: {  	_ = 	snop  }
0x4: {  	_ = 	snop  }
0x5: {  	_ = 	snop  }
0x6: {  	_ = 	snop  }
0x7: {  	_ = 	snop  }
__scs_overlays_trampoline_lowered:
0x8: {  	[smem:$0x3FAE] =	sst s0  }
0x9: {  	[smem:$0x3FAF] =	sst s1  }
0xa: {  	[smem:$0x3FB0] =	sst s2  }
0xb: {  	[smem:$0x3FB1] =	sst s3  }
0xc: {  	[smem:$0x3FB2] =	sst s4  }
0xd: {  	[smem:$0x3FB3] =	sst s5  }
0xe: {  	[smem:$0x3FB4] =	sst s6  }
0xf: {  	[smem:$0x3FB5] =	sst s7  }
0x10: {  	[smem:$0x3FB6] =	sst s8  }
0x11: {  	[smem:$0x3FB7] =	sst s9;
	s0 =	simm.s32 @!p0 $0x0  }
0x12: {  	s1 =	sld [smem:$0x3F9D];
	s0 =	simm.s32 @p0 $0x1  }
0x13: {  	[smem:$0x3FB8] =	sst s0;
	s0 =	simm.s32 @!p1 $0x0  }
0x14: {  	s2 =	sld [smem:$0x3F9C];
	s0 =	simm.s32 @p1 $0x1  }
0x15: {  	[smem:$0x3FB9] =	sst s0;
	s0 =	simm.s32 @!p2 $0x0  }
0x16: {  	s3 =	sld [smem:$0x3FDB];
	s0 =	simm.s32 @p2 $0x1  }
0x17: {  	s4 =	simm.s32 $0x1BF5;
	[smem:$0x3FBB] =	sst s0  }
0x18: {  	s0 =	sld [smem:$0x3F9E];
	_ =	swait.ge [sflag:s4], $0x0  }
0x19: {  	s7 =	sld [smem:$0x3F9F]  }
0x1a: {  	s8 =	sadd.s32 $0xFFFFE003, lr  }
0x1b: {  	s9 =	sadd.s32 $0xFFFFFEF7, lr;
	s5 =	simm.s32 $0xFFFFFFFF;
	p2 =	slt.u32 s8, $0xFFFFF086  }
0x1c: {  	p1 =	slt.u32 s9, $0xF7A;
	s5 =	simm.s32 @!p2 $0x0  }
0x1d: {  	s5 =	simm.s32 @p1 $0x1;
	p0 =	seq.s32 s7, s2  }
0x1e: {  	s7 =	smul.u32 @!p0 $0xF7A, s2;
	p2 =	seq.s32 @!p0 s5, $0x0  }
0x1f: {  	s9 =	smul.u32 $0xF7A, s1;
	s8 =	simm.s32 @!p0 $0x1BF5;
	p2 =	por !p2, p0  }
0x20: {  	[sflag:s8] =	ssyncset.s32 @!p0 $0xFFFFF086;
	s6 =	sadd.s32 @!p0 s3, s7;
	s7 =	simm.s32 @!p0 $0x108  }
0x21: {  	s3 =	sadd.s32 s3, s9;
	s6 =	sadd.s32 @!p0 $0x88, s6;
	s7 =	simm.s32 @p2 $0x1082  }
0x22: {  	[simem:s7], [sflag:s8] =	dma.local @!p0 [hbm:s6], $0xF7A  }
0x23: {  	s9 =	sor.u32 $0xD0000000, s2;
	s6 =	simm.s32 $0x108;
	_ =	swait.ge @!p0 [sflag:s8], $0x0  }
0x24: {  	s3 =	sadd.s32 $0x88, s3;
	s6 =	simm.s32 @!p1 $0x1082;
	[sflag:s4] =	ssyncset.s32 $0xFFFFF086  }
0x25: {  	[simem:s6], [sflag:s4] =	dma.local [hbm:s3], $0xF7A  }
0x26: {  	[smem:$0x3F9F] =	sst s1;
	(tag) =	ssettag s2;
	_ =	strace s9  }
0x27: {  	s1 =	sld [smem:$0x3FAF]  }
0x28: {  	s2 =	sld [smem:$0x3FB0]  }
0x29: {  	s4 =	sld [smem:$0x3FB2]  }
0x2a: {  	p0 =	seq.s32 s5, $0x0;
	s5 =	sld [smem:$0x3FB3]  }
0x2b: {  	s6 =	sld [smem:$0x3FB4]  }
0x2c: {  	s7 =	sld [smem:$0x3FB5]  }
0x2d: {  	s3 =	simm.s32 $0x108;
	s8 =	sld [smem:$0x3FB6]  }
0x2e: {  	s3 =	simm.s32 @!p0 $0x1082;
	s9 =	sld [smem:$0x3FB7]  }
0x2f: {  	lr =	sadd.s32 s0, s3;
	s0 =	sld [smem:$0x3FAE]  }
0x30: {  	s3 =	sld [smem:$0x3FB1]  }
0x31: {  	[smem:$0x3FBA] =	sst s10  }
0x32: {  	s10 =	sld [smem:$0x3FB8];
	_ =	sdelay $0x3  }
0x33: {  	p0 =	seq.s32 s10, $0x1;
	s10 =	sld [smem:$0x3FBA];
	_ =	sdelay $0x3  }
0x34: {  	[smem:$0x3FBA] =	sst s10  }
0x35: {  	s10 =	sld [smem:$0x3FB9];
	_ =	sdelay $0x3  }
0x36: {  	p1 =	seq.s32 s10, $0x1;
	s10 =	sld [smem:$0x3FBA];
	_ =	sdelay $0x3  }
0x37: {  	[smem:$0x3FBA] =	sst s10  }
0x38: {  	s10 =	sld [smem:$0x3FBB]  }
0x39: {  	_ = 	snop;
	(pc) =	sbr.ind lr, $3  }
0x3a: {  	_ = 	snop  }
0x3b: {  	_ = 	snop  }
0x3c: {  	p2 =	seq.s32 s10, $0x1;
	s10 =	sld [smem:$0x3FBA]  }
0x3d: {  	_ =	shalt  }
0x3e: {  	_ =	shalt  }
0x3f: {  	_ =	shalt  }
0x40: {  	_ =	shalt  }
0x41: {  	_ =	shalt  }
0x42: {  	_ =	shalt  }
0x43: {  	_ =	shalt  }
0x44: {  	_ =	shalt  }
0x45: {  	_ =	shalt  }
0x46: {  	_ =	shalt  }
0x47: {  	_ =	shalt  }
0x48: {  	_ =	shalt  }
0x49: {  	_ =	shalt  }
0x4a: {  	_ =	shalt  }
0x4b: {  	_ =	shalt  }
0x4c: {  	_ =	shalt  }
0x4d: {  	_ =	shalt  }
0x4e: {  	_ =	shalt  }
0x4f: {  	_ =	shalt  }
0x50: {  	_ =	shalt  }
0x51: {  	_ =	shalt  }
0x52: {  	_ =	shalt  }
0x53: {  	_ =	shalt  }
0x54: {  	_ =	shalt  }
0x55: {  	_ =	shalt  }
0x56: {  	_ =	shalt  }
0x57: {  	_ =	shalt  }
0x58: {  	_ =	shalt  }
0x59: {  	_ =	shalt  }
0x5a: {  	_ =	shalt  }
0x5b: {  	_ =	shalt  }
0x5c: {  	_ =	shalt  }
0x5d: {  	_ =	shalt  }
0x5e: {  	_ =	shalt  }
0x5f: {  	_ =	shalt  }
0x60: {  	_ =	shalt  }
0x61: {  	_ =	shalt  }
0x62: {  	_ =	shalt  }
0x63: {  	_ =	shalt  }
0x64: {  	_ =	shalt  }
0x65: {  	_ =	shalt  }
0x66: {  	_ =	shalt  }
0x67: {  	_ =	shalt  }
0x68: {  	_ =	shalt  }
0x69: {  	_ =	shalt  }
0x6a: {  	_ =	shalt  }
0x6b: {  	_ =	shalt  }
0x6c: {  	_ =	shalt  }
0x6d: {  	_ =	shalt  }
0x6e: {  	_ =	shalt  }
0x6f: {  	_ =	shalt  }
0x70: {  	_ =	shalt  }
0x71: {  	_ =	shalt  }
0x72: {  	_ =	shalt  }
0x73: {  	_ =	shalt  }
0x74: {  	_ =	shalt  }
0x75: {  	_ =	shalt  }
0x76: {  	_ =	shalt  }
0x77: {  	_ =	shalt  }
0x78: {  	_ =	shalt  }
0x79: {  	_ =	shalt  }
0x7a: {  	_ =	shalt  }
0x7b: {  	_ =	shalt  }
0x7c: {  	_ =	shalt  }
0x7d: {  	_ =	shalt  }
0x7e: {  	_ =	shalt  }
0x7f: {  	_ =	shalt  }
0x80: {  	_ =	shalt  }
0x81: {  	_ =	shalt  }
0x82: {  	_ =	shalt  }
0x83: {  	_ =	shalt  }
0x84: {  	_ =	shalt  }
0x85: {  	_ =	shalt  }
0x86: {  	_ =	shalt  }
0x87: {  	_ =	shalt  }
.Lfunc_end0:
.L_simem_size_0:
called_computation_lowered:
.L_overlay_start_0:
0x88: {  	s2 =	sld [smem:$0x3FD9]  }
0x89: {  	s3 =	sld [smem:$0x3FFE];
	_ =	sdelay $0x1  }
0x8a: {  	s1 =	srdreg.scid  }
0x8b: {  	s0 =	sand.u32 $0x1, s1  }
0x8c: {  	s17 =	sshll.u32 s0, $0xA;
	s2 =	sadd.s32 s3, s2  }
0x8d: {  	s2 =	sadd.s32 s2, s17  }
0x8e: {  	[smem:$0x3FC6] =	sst s2  }
0x8f: {  	_ = 	snop  }
0x90: {  	s2 =	sld [smem:$0x3FC8]  }
0x91: {  	s18 =	sld [smem:$0x3FD0];
	(tm) =	ssettm $0x1  }
0x92: {  	s4 =	sld [smem:$0x3FFB];
	_ =	sdelay $0x3  }
0x93: {  	_ =	strace s4  }
0x94: {  	s4 =	sld [smem:$0x3FFC];
	_ =	sdelay $0x3  }
0x95: {  	_ =	strace s4  }
0x96: {  	s4 =	sld [smem:$0x3FFD];
	_ =	sdelay $0x3  }
0x97: {  	_ =	strace s4  }
0x98: {  	_ =	strace $0x8FFFFFFF  }
0x99: {  	s19 =	sld [smem:$0x3FDB];
	_ =	sdelay $0x1  }
0x9a: {  	s5 =	simm.s32 $_scs_section_size  }
0x9b: {  	s6 =	simm.s32 $_size__tile_overlayer_lowered;
	s7 =	simm.s32 $_tile_overlayer_lowered  }
0x9c: {  	s22 =	simm.s32 $0x1BFF;
	s21 =	sshll.u32 s7, $0x1;
	s4 =	sadd.s32 s5, s19  }
0x9d: {  	s8 =	simm.s32 $0x0;
	s20 =	sshll.u32 s6, $0x1;
	s6 =	sadd.s32 s21, s4  }
0x9e: {  	[timem:s8], [sflag:s22] =	dma.local [hbm:s6], s20  }
0x9f: {  	_ =	swait.ge [sflag:s22], s20  }
0xa0: {  	s5 =	ssub.s32 $0x0, s20;
	[sflag:s22] =	ssyncset.done $0x0  }
0xa1: {  	[sflag:s22] =	ssyncadd.s32 s5;
	_ =	sdelay $0x1  }
0xa2: {  	s23 =	simm.s32 $0x1B8B  }
0xa3: {  	_ =	swait.ge [sflag:s23], $0x1  }
0xa4: {  	[sflag:s23] =	ssyncset.done $0x0  }
0xa5: {  	s25 =	simm.s32 $0x1B8E;
	s24 =	sld [smem:$0x3FFE];
	[sflag:s23] =	ssyncadd.s32 $0xFFFFFFFF  }
0xa6: {  	s26 =	simm.s32 $execute0_lowered;
	[smem:$0x3FD2] =	sst s25  }
0xa7: {  	s6 =	sshll.u32 s26, $0x1;
	_ =	strace $0x80000046;
	[dreg:$0x1] =	wrdreg $0xFFFFFFFF  }
0xa8: {  	s28 =	simm.s32 $_size_execute0_lowered;
	s4 =	sadd.s32 s4, s6;
	[dreg:$0x0] =	wrdreg $0x0  }
0xa9: {  	s6 =	sshll.u32 s28, $0x1;
	[dreg:$0x2] =	wrdreg s4  }
0xaa: {  	[dreg:$0x3] =	wrdreg s6  }
0xab: {  	[dreg:$0x4] =	wrdreg $0xC0  }
0xac: {  	_ =	task [dreg:s8], $0x5FFFF  }
0xad: {  	[dreg:$0x1] =	wrdreg $0xFFFFFFFF  }
0xae: {  	[dreg:$0x0] =	wrdreg $0x60  }
0xaf: {  	[dreg:$0x2] =	wrdreg s24  }
0xb0: {  	[dreg:$0x3] =	wrdreg s2  }
0xb1: {  	[dreg:$0x4] =	wrdreg s18  }
0xb2: {  	[dreg:$0x5] =	wrdreg $0x9  }
0xb3: {  	_ =	task.clear_ibuf [dreg:s8], $0x6FFFF;
	_ =	strace $0x90000046  }
0xb4: {  	s29 =	simm.s32 $0x9;
	_ =	strace $0x80000048  }
0xb5: {  	_ =	swait.ge [sflag:s29], $0x1  }
0xb6: {  	[sflag:s29] =	ssyncadd.s32 $0xFFFFFFFF  }
0xb7: {  	_ =	strace $0x90000048  }
0xb8: {  	_ =	sfence  }
0xb9: {  	s30 =	sld [smem:$0x0];
	_ =	sdelay $0x2  }
0xba: {  	s31 =	sshll.u32 s1, $0xD;
	s1 =	sshrl.u32 s1, $0x2  }
0xbb: {  	s3 =	sand.u32 $0x4000, s31;
	s1 =	sadd.s32 s1, s30  }
0xbc: {  	s0 =	sor.u32 s3, s0;
	s1 =	sshll.u32 s1, $0x11  }
0xbd: {  	s0 =	sor.u32 s1, s0  }
0xbe: {  	s0 =	sadd.s32 $0x8F2B, s0  }
0xbf: {  	[sflag:s0] =	ssyncadd.remote.s32 $0x1  }
0xc0: {  	_ =	sfence.sel $0xFFFF  }
0xc1: {  	[dreg:$0x0] =	wrdreg $0xFFFFFFFF;
	(pc) =	sbr.abs _section_cstart, $3  }
0xc2: {  	[dreg:$0x1] =	wrdreg $0xFFFFFFFF  }
0xc3: {  	_ =	task.clear_ibuf [dreg:s8], $0x2FFFF;
	_ =	strace $0x9FFFFFFF  }
0xc4: {  	(tm) =	ssettm $0x7FFFFFFF  }
0xc5: {  	_ =	shalt  }
tec
execute0_lowered:
.L_overlay_start_1:
0x0: {  	(tag) =	ssettag $0x1  }
0x1: {  	s0 =	rddreg [dreg:$0x0]  }
0x2: {  	s2 =	rddreg [dreg:$0x1]  }
0x3: {  	s1 =	srdreg.scid;
	s8 =	stileid.u32  }
0x4: {  	s4 =	rddreg [dreg:$0x2];
	s28 =	simm.s32 $0x8000;
	s11 =	simm.s32 $0xB000  }
0x5: {  	s13 =	simm.s32 $0xB800;
	s29 =	simm.s32 $0xC000;
	s14 =	simm.s32 $0xC800  }
0x6: {  	s15 =	simm.s32 $0xD000;
	s16 =	simm.s32 $0xD800;
	s17 =	simm.s32 $0xE000  }
0x7: {  	s12 =	simm.s32 $0xE800;
	s30 =	simm.s32 $0xF000;
	s31 =	simm.s32 $0xF800  }
0x8: {  	s9 =	simm.s32 $0x1;
	s10 =	simm.s32 $0x10000;
	s1 =	sand.u32 $0x1, s1  }
0x9: {  	s3 =	sshll.u32 s8, $0x1;
	s20 =	sshll.u32 s8, $0x13;
	s8 =	simm.s32 $0xA000  }
0xa: {  	s6 =	sor.u32 s1, s3;
	s3 =	simm.s32 $0x0;
	s7 =	ssub.s32 $0x2, s1  }
0xb: {  	s22 =	sadd.s32 s20, s4;
	s1 =	sshll.u32 s1, $0x12;
	s20 =	simm.s32 $0x4000  }
0xc: {  	s5 =	sshll.u32 s6, $0xB;
	[smem:$0x7FF] =	sst s3;
	s18 =	sshrl.u32 s7, $0x1  }
0xd: {  	s19 =	sshll.u32 s6, $0x12;
	s6 =	simm.s32 $0xA800;
	s0 =	sadd.s32 s5, s0  }
0xe: {  	_ =	strace $0x80000047;
	s7 =	ssub.s32 s7, s18;
	s21 =	sadd.s32 s4, s19  }
0xf: {  	s5 =	sadd.s32 $0x100, s2;
	s19 =	simm.s32 $0x0;
	[dreg:$0x6] =	wrdreg s21  }
0x10: {  	s4 =	simm.s32 $0x9000;
	s0 =	sadd.s32 $0x400, s0;
	[dreg:$0xb] =	wrdreg s19  }
0x11: {  	s18 =	simm.s32 $0x2;
	s23 =	sadd.s32 $0x3E800, s21;
	[dreg:$0x5] =	wrdreg s0  }
0x12: {  	s24 =	sadd.s32 $0x3F000, s21;
	s25 =	sadd.s32 $0x3F800, s21;
	[dreg:$0x7] =	wrdreg s23  }
0x13: {  	s26 =	smax.u32 s7, $0x1;
	s21 =	simm.s32 $0x4800;
	[dreg:$0x8] =	wrdreg s24  }
0x14: {  	s7 =	simm.s32 $0x9800;
	s0 =	sadd.s32 s1, s22;
	[dreg:$0x9] =	wrdreg s25  }
0x15: {  	v2 =	vlaneseq.u32;
	[dreg:$0xa] =	wrdreg s26;
	s22 =	simm.s32 $0x5000;
	s23 =	simm.s32 $0x5800  }
0x16: {  	vm0 =	vmmov $0xffff;
	v1 =	vshrl.u32 v2, $0x3;
	s24 =	simm.s32 $0x6000;
	s25 =	simm.s32 $0x6800;
	s26 =	simm.s32 $0x7000  }
0x17: {  	v0 =	vand.u32 $0x7, v2;
	v2 =	vor.u32 $0x8, v2;
	v1 =	vmul.u32 $0x8, v1;
	s1 =	simm.s32 $0x7800;
	[dreg:$0x4] =	wrdreg s0;
	s0 =	simm.s32 $0x8800  }
.LBB2_1:
0x18: {  	s19 =	rddreg [dreg:$0x5]  }
0x19: {  	[tilespmem:s3], [sflag:$0x3] =	stream.linear.gather [hbm4b:s19+s3], $0x4000, $0x38;
	[tilespmem:$0x14000] =	vst v63  }
0x1a: {  	s19 =	simm.s32 $0x3  }
0x1b: {  	_ =	swait.ge [sflag:s19], $0x4000  }
0x1c: {  	[sflag:s19] =	ssyncset.done $0x0  }
0x1d: {  	[sflag:s19] =	ssyncadd.s32 $0xFFFFC000  }
0x1e: {  	v3 =	vld [tilespmem:$0x0];
	_ =	sdelay $0x4  }
0x1f: {  	v4 =	vshll.u32 v3, $0x2  }
0x20: {  	v3 =	vand.u32 $0x7, v3;
	v4 =	vand.u32 $0xFFFFFFE0, v4  }
0x21: {  	v3 =	vor.u32 v3, v4  }
0x22: {  	v4 =	vperm.xlane v3, v0;
	_ =	sdelay $0x1  }
0x23: {  	v4 =	vadd.s32 v1, v4;
	_ =	sdelay $0x1  }
0x24: {  	v3 =	vperm.xlane v3, v2;
	_ =	sdelay $0x1  }
0x25: {  	v3 =	vadd.s32 v1, v3  }
0x26: {  	[tilespmem:s20], [sflag:$0x1] =	stream.indirect_vreg.gather [hbm4b:s2+s3], $0x80, v4, vm0, $0xb8;
	[tilespmem:$0x14000] =	vst v63  }
0x27: {  	_ = 	snop  }
0x28: {  	[tilespmem:s21], [sflag:$0x1] =	stream.indirect_vreg.gather [hbm4b:s5+s3], $0x80, v4, vm0, $0xb8;
	[tilespmem:$0x14000] =	vst v63  }
0x29: {  	_ = 	snop  }
0x2a: {  	[tilespmem:s22], [sflag:$0x1] =	stream.indirect_vreg.gather [hbm4b:s2+s3], $0x80, v3, vm0, $0xb8;
	[tilespmem:$0x14000] =	vst v63  }
0x2b: {  	_ = 	snop  }
0x2c: {  	[tilespmem:s23], [sflag:$0x1] =	stream.indirect_vreg.gather [hbm4b:s5+s3], $0x80, v3, vm0, $0xb8;
	[tilespmem:$0x14000] =	vst v63  }
0x2d: {  	v3 =	vld [tilespmem:$0x10];
	_ =	sdelay $0x4  }
0x2e: {  	v57 =	vshll.u32 v3, $0x2  }
0x2f: {  	v3 =	vand.u32 $0x7, v3;
	v4 =	vand.u32 $0xFFFFFFE0, v57  }
0x30: {  	v3 =	vor.u32 v3, v4  }
0x31: {  	v4 =	vperm.xlane v3, v0;
	_ =	sdelay $0x1  }
0x32: {  	v4 =	vadd.s32 v1, v4;
	_ =	sdelay $0x1  }
0x33: {  	v3 =	vperm.xlane v3, v2;
	_ =	sdelay $0x1  }
0x34: {  	v3 =	vadd.s32 v1, v3  }
0x35: {  	[tilespmem:s24], [sflag:$0x1] =	stream.indirect_vreg.gather [hbm4b:s2+s3], $0x80, v4, vm0, $0xb8;
	[tilespmem:$0x14000] =	vst v63  }
0x36: {  	_ = 	snop  }
0x37: {  	[tilespmem:s25], [sflag:$0x1] =	stream.indirect_vreg.gather [hbm4b:s5+s3], $0x80, v4, vm0, $0xb8;
	[tilespmem:$0x14000] =	vst v63  }
0x38: {  	_ = 	snop  }
0x39: {  	[tilespmem:s26], [sflag:$0x1] =	stream.indirect_vreg.gather [hbm4b:s2+s3], $0x80, v3, vm0, $0xb8;
	[tilespmem:$0x14000] =	vst v63  }
0x3a: {  	_ = 	snop  }
0x3b: {  	[tilespmem:s1], [sflag:$0x1] =	stream.indirect_vreg.gather [hbm4b:s5+s3], $0x80, v3, vm0, $0xb8;
	[tilespmem:$0x14000] =	vst v63  }
0x3c: {  	v3 =	vld [tilespmem:$0x80];
	_ =	sdelay $0x4  }
0x3d: {  	v58 =	vshll.u32 v3, $0x2  }
0x3e: {  	v3 =	vand.u32 $0x7, v3;
	v4 =	vand.u32 $0xFFFFFFE0, v58  }
0x3f: {  	v3 =	vor.u32 v3, v4  }
0x40: {  	v4 =	vperm.xlane v3, v0;
	_ =	sdelay $0x1  }
0x41: {  	v4 =	vadd.s32 v1, v4;
	_ =	sdelay $0x1  }
0x42: {  	v3 =	vperm.xlane v3, v2;
	_ =	sdelay $0x1  }
0x43: {  	v3 =	vadd.s32 v1, v3  }
0x44: {  	[tilespmem:s28], [sflag:$0x1] =	stream.indirect_vreg.gather [hbm4b:s2+s3], $0x80, v4, vm0, $0xb8;
	[tilespmem:$0x14000] =	vst v63  }
0x45: {  	_ = 	snop  }
0x46: {  	[tilespmem:s0], [sflag:$0x1] =	stream.indirect_vreg.gather [hbm4b:s5+s3], $0x80, v4, vm0, $0xb8;
	[tilespmem:$0x14000] =	vst v63  }
0x47: {  	_ = 	snop  }
0x48: {  	[tilespmem:s4], [sflag:$0x1] =	stream.indirect_vreg.gather [hbm4b:s2+s3], $0x80, v3, vm0, $0xb8;
	[tilespmem:$0x14000] =	vst v63  }
0x49: {  	_ = 	snop  }
0x4a: {  	[tilespmem:s7], [sflag:$0x1] =	stream.indirect_vreg.gather [hbm4b:s5+s3], $0x80, v3, vm0, $0xb8;
	[tilespmem:$0x14000] =	vst v63  }
0x4b: {  	v3 =	vld [tilespmem:$0x90];
	_ =	sdelay $0x4  }
0x4c: {  	v59 =	vshll.u32 v3, $0x2  }
0x4d: {  	v3 =	vand.u32 $0x7, v3;
	v4 =	vand.u32 $0xFFFFFFE0, v59  }
0x4e: {  	v3 =	vor.u32 v3, v4  }
0x4f: {  	v4 =	vperm.xlane v3, v0;
	_ =	sdelay $0x1  }
0x50: {  	v4 =	vadd.s32 v1, v4;
	_ =	sdelay $0x1  }
0x51: {  	v3 =	vperm.xlane v3, v2;
	_ =	sdelay $0x1  }
0x52: {  	v3 =	vadd.s32 v1, v3  }
0x53: {  	[tilespmem:s8], [sflag:$0x1] =	stream.indirect_vreg.gather [hbm4b:s2+s3], $0x80, v4, vm0, $0xb8;
	[tilespmem:$0x14000] =	vst v63  }
0x54: {  	_ = 	snop  }
0x55: {  	[tilespmem:s6], [sflag:$0x1] =	stream.indirect_vreg.gather [hbm4b:s5+s3], $0x80, v4, vm0, $0xb8;
	[tilespmem:$0x14000] =	vst v63  }
0x56: {  	_ = 	snop  }
0x57: {  	[tilespmem:s11], [sflag:$0x1] =	stream.indirect_vreg.gather [hbm4b:s2+s3], $0x80, v3, vm0, $0xb8;
	[tilespmem:$0x14000] =	vst v63  }
0x58: {  	_ = 	snop  }
0x59: {  	[tilespmem:s13], [sflag:$0x1] =	stream.indirect_vreg.gather [hbm4b:s5+s3], $0x80, v3, vm0, $0xb8;
	[tilespmem:$0x14000] =	vst v63  }
0x5a: {  	v3 =	vld [tilespmem:$0x100];
	_ =	sdelay $0x4  }
0x5b: {  	v60 =	vshll.u32 v3, $0x2  }
0x5c: {  	v3 =	vand.u32 $0x7, v3;
	v4 =	vand.u32 $0xFFFFFFE0, v60  }
0x5d: {  	v3 =	vor.u32 v3, v4  }
0x5e: {  	v4 =	vperm.xlane v3, v0;
	_ =	sdelay $0x1  }
0x5f: {  	v4 =	vadd.s32 v1, v4;
	_ =	sdelay $0x1  }
0x60: {  	v3 =	vperm.xlane v3, v2;
	_ =	sdelay $0x1  }
0x61: {  	v3 =	vadd.s32 v1, v3  }
0x62: {  	[tilespmem:s29], [sflag:$0x1] =	stream.indirect_vreg.gather [hbm4b:s2+s3], $0x80, v4, vm0, $0xb8;
	[tilespmem:$0x14000] =	vst v63  }
0x63: {  	_ = 	snop  }
0x64: {  	[tilespmem:s14], [sflag:$0x1] =	stream.indirect_vreg.gather [hbm4b:s5+s3], $0x80, v4, vm0, $0xb8;
	[tilespmem:$0x14000] =	vst v63  }
0x65: {  	_ = 	snop  }
0x66: {  	[tilespmem:s15], [sflag:$0x1] =	stream.indirect_vreg.gather [hbm4b:s2+s3], $0x80, v3, vm0, $0xb8;
	[tilespmem:$0x14000] =	vst v63  }
0x67: {  	_ = 	snop  }
0x68: {  	[tilespmem:s16], [sflag:$0x1] =	stream.indirect_vreg.gather [hbm4b:s5+s3], $0x80, v3, vm0, $0xb8;
	[tilespmem:$0x14000] =	vst v63  }
0x69: {  	v3 =	vld [tilespmem:$0x110];
	_ =	sdelay $0x4  }
0x6a: {  	v61 =	vshll.u32 v3, $0x2  }
0x6b: {  	v3 =	vand.u32 $0x7, v3;
	v4 =	vand.u32 $0xFFFFFFE0, v61  }
0x6c: {  	v3 =	vor.u32 v3, v4  }
0x6d: {  	v4 =	vperm.xlane v3, v0;
	_ =	sdelay $0x1  }
0x6e: {  	v4 =	vadd.s32 v1, v4;
	_ =	sdelay $0x1  }
0x6f: {  	v3 =	vperm.xlane v3, v2;
	_ =	sdelay $0x1  }
0x70: {  	v3 =	vadd.s32 v1, v3  }
0x71: {  	[tilespmem:s17], [sflag:$0x1] =	stream.indirect_vreg.gather [hbm4b:s2+s3], $0x80, v4, vm0, $0xb8;
	[tilespmem:$0x14000] =	vst v63  }
0x72: {  	_ = 	snop  }
0x73: {  	[tilespmem:s12], [sflag:$0x1] =	stream.indirect_vreg.gather [hbm4b:s5+s3], $0x80, v4, vm0, $0xb8;
	[tilespmem:$0x14000] =	vst v63  }
0x74: {  	_ = 	snop  }
0x75: {  	[tilespmem:s30], [sflag:$0x1] =	stream.indirect_vreg.gather [hbm4b:s2+s3], $0x80, v3, vm0, $0xb8;
	[tilespmem:$0x14000] =	vst v63  }
0x76: {  	_ = 	snop  }
0x77: {  	[tilespmem:s31], [sflag:$0x1] =	stream.indirect_vreg.gather [hbm4b:s5+s3], $0x80, v3, vm0, $0xb8;
	[tilespmem:$0x14000] =	vst v63  }
0x78: {  	_ =	swait.ge [sflag:s9], $0x4000  }
0x79: {  	[sflag:s9] =	ssyncset.done $0x0  }
0x7a: {  	s23 =	rddreg [dreg:$0x6];
	[sflag:s9] =	ssyncadd.s32 $0xFFFFC000  }
0x7b: {  	[hbm4b:s23+s3] =	stream.linear.scatter [tilespmem:s20], [sflag:$0x2], $0x4000, $0x38;
	[tilespmem:$0x14000] =	vst v63  }
0x7c: {  	v3 =	vld [tilespmem:$0x180];
	_ =	sdelay $0x4  }
0x7d: {  	v62 =	vshll.u32 v3, $0x2  }
0x7e: {  	v3 =	vand.u32 $0x7, v3;
	v4 =	vand.u32 $0xFFFFFFE0, v62  }
0x7f: {  	v3 =	vor.u32 v3, v4  }
0x80: {  	v4 =	vperm.xlane v3, v0;
	_ =	sdelay $0x1  }
0x81: {  	v4 =	vadd.s32 v1, v4;
	_ =	sdelay $0x1  }
0x82: {  	v3 =	vperm.xlane v3, v2;
	_ =	sdelay $0x1  }
0x83: {  	v3 =	vadd.s32 v1, v3  }
0x84: {  	[tilespmem:s10], [sflag:$0x1] =	stream.indirect_vreg.gather [hbm4b:s2+s3], $0x80, v4, vm0, $0xb8;
	[tilespmem:$0x14000] =	vst v63  }
0x85: {  	s24 =	simm.s32 $0x10800  }
0x86: {  	[tilespmem:s24], [sflag:$0x1] =	stream.indirect_vreg.gather [hbm4b:s5+s3], $0x80, v4, vm0, $0xb8;
	[tilespmem:$0x14000] =	vst v63  }
0x87: {  	s25 =	simm.s32 $0x11000  }
0x88: {  	[tilespmem:s25], [sflag:$0x1] =	stream.indirect_vreg.gather [hbm4b:s2+s3], $0x80, v3, vm0, $0xb8;
	[tilespmem:$0x14000] =	vst v63  }
0x89: {  	s26 =	simm.s32 $0x11800  }
0x8a: {  	[tilespmem:s26], [sflag:$0x1] =	stream.indirect_vreg.gather [hbm4b:s5+s3], $0x80, v3, vm0, $0xb8;
	[tilespmem:$0x14000] =	vst v63  }
0x8b: {  	v3 =	vld [tilespmem:$0x190];
	_ =	sdelay $0x4  }
0x8c: {  	v63 =	vshll.u32 v3, $0x2  }
0x8d: {  	v3 =	vand.u32 $0x7, v3;
	v4 =	vand.u32 $0xFFFFFFE0, v63  }
0x8e: {  	v3 =	vor.u32 v3, v4  }
0x8f: {  	v4 =	vperm.xlane v3, v0;
	_ =	sdelay $0x1  }
0x90: {  	v4 =	vadd.s32 v1, v4  }
0x91: {  	s19 =	simm.s32 $0x390;
	s21 =	simm.s32 $0x0;
	s28 =	simm.s32 $0x12000  }
0x92: {  	s0 =	simm.s32 $0xF800;
	s4 =	simm.s32 $0x12800;
	s7 =	simm.s32 $0x13800;
	v3 =	vperm.xlane v3, v2  }
0x93: {  	s8 =	simm.s32 $0xA000;
	s6 =	simm.s32 $0xA800;
	s11 =	simm.s32 $0xB000  }
0x94: {  	s13 =	simm.s32 $0xB800;
	s14 =	simm.s32 $0xC800;
	s15 =	simm.s32 $0xD000;
	v3 =	vadd.s32 v1, v3  }
0x95: {  	[tilespmem:s28], [sflag:$0x1] =	stream.indirect_vreg.gather [hbm4b:s2+s3], $0x80, v4, vm0, $0xb8;
	[tilespmem:$0x14000] =	vst v63  }
0x96: {  	s16 =	simm.s32 $0xD800;
	s17 =	simm.s32 $0xE000;
	s12 =	simm.s32 $0xE800  }
0x97: {  	[tilespmem:s4], [sflag:$0x1] =	stream.indirect_vreg.gather [hbm4b:s5+s3], $0x80, v4, vm0, $0xb8;
	[tilespmem:$0x14000] =	vst v63  }
0x98: {  	s30 =	simm.s32 $0x13000;
	s31 =	simm.s32 $0x7000;
	s20 =	simm.s32 $0x4000  }
0x99: {  	[tilespmem:s30], [sflag:$0x1] =	stream.indirect_vreg.gather [hbm4b:s2+s3], $0x80, v3, vm0, $0xb8;
	[tilespmem:$0x14000] =	vst v63  }
0x9a: {  	s24 =	simm.s32 $0xF000;
	s25 =	simm.s32 $0x5000;
	s26 =	simm.s32 $0x5800  }
0x9b: {  	[tilespmem:s7], [sflag:$0x1] =	stream.indirect_vreg.gather [hbm4b:s5+s3], $0x80, v3, vm0, $0xb8;
	[tilespmem:$0x14000] =	vst v63  }
.LBB2_2:
0x9c: {  	_ =	swait.ge [sflag:s9], $0x4000  }
0x9d: {  	s22 =	rddreg [dreg:$0x4]  }
0x9e: {  	[sflag:s9] =	ssyncset.done $0x0;
	s22 =	sadd.s32 s21, s22  }
0x9f: {  	s1 =	simm.s32 $0x8000;
	[sflag:s9] =	ssyncadd.s32 $0xFFFFC000;
	s23 =	sadd.s32 $0x800, s22  }
0xa0: {  	[hbm4b:s23+s3] =	stream.linear.scatter [tilespmem:s1], [sflag:$0x2], $0x4000, $0x38;
	[tilespmem:$0x14000] =	vst v63  }
0xa1: {  	_ =	swait.ge [sflag:s18], $0x4000  }
0xa2: {  	[sflag:s18] =	ssyncset.done $0x0  }
0xa3: {  	[sflag:s18] =	ssyncadd.s32 $0xFFFFC000  }
0xa4: {  	v3 =	vld [tilespmem:s19+$0xFFFFFE70];
	_ =	sdelay $0x4  }
0xa5: {  	v4 =	vshll.u32 v3, $0x2  }
0xa6: {  	v3 =	vand.u32 $0x7, v3;
	v4 =	vand.u32 $0xFFFFFFE0, v4  }
0xa7: {  	v3 =	vor.u32 v3, v4  }
0xa8: {  	v4 =	vperm.xlane v3, v0;
	_ =	sdelay $0x1  }
0xa9: {  	v4 =	vadd.s32 v1, v4;
	_ =	sdelay $0x1  }
0xaa: {  	v3 =	vperm.xlane v3, v2;
	_ =	sdelay $0x1  }
0xab: {  	v3 =	vadd.s32 v1, v3  }
0xac: {  	[tilespmem:s20], [sflag:$0x1] =	stream.indirect_vreg.gather [hbm4b:s2+s3], $0x80, v4, vm0, $0xb8;
	[tilespmem:$0x14000] =	vst v63  }
0xad: {  	s23 =	simm.s32 $0x4800  }
0xae: {  	[tilespmem:s23], [sflag:$0x1] =	stream.indirect_vreg.gather [hbm4b:s5+s3], $0x80, v4, vm0, $0xb8;
	[tilespmem:$0x14000] =	vst v63  }
0xaf: {  	_ = 	snop  }
0xb0: {  	[tilespmem:s25], [sflag:$0x1] =	stream.indirect_vreg.gather [hbm4b:s2+s3], $0x80, v3, vm0, $0xb8;
	[tilespmem:$0x14000] =	vst v63  }
0xb1: {  	_ = 	snop  }
0xb2: {  	[tilespmem:s26], [sflag:$0x1] =	stream.indirect_vreg.gather [hbm4b:s5+s3], $0x80, v3, vm0, $0xb8;
	[tilespmem:$0x14000] =	vst v63  }
0xb3: {  	v3 =	vld [tilespmem:s19+$0xFFFFFE80];
	_ =	sdelay $0x4  }
0xb4: {  	v57 =	vshll.u32 v3, $0x2  }
0xb5: {  	v3 =	vand.u32 $0x7, v3;
	v4 =	vand.u32 $0xFFFFFFE0, v57  }
0xb6: {  	v3 =	vor.u32 v3, v4  }
0xb7: {  	v4 =	vperm.xlane v3, v0;
	_ =	sdelay $0x1  }
0xb8: {  	v4 =	vadd.s32 v1, v4;
	_ =	sdelay $0x1  }
0xb9: {  	v3 =	vperm.xlane v3, v2;
	_ =	sdelay $0x1  }
0xba: {  	s23 =	simm.s32 $0x6000;
	v3 =	vadd.s32 v1, v3  }
0xbb: {  	[tilespmem:s23], [sflag:$0x1] =	stream.indirect_vreg.gather [hbm4b:s2+s3], $0x80, v4, vm0, $0xb8;
	[tilespmem:$0x14000] =	vst v63  }
0xbc: {  	s23 =	simm.s32 $0x6800  }
0xbd: {  	[tilespmem:s23], [sflag:$0x1] =	stream.indirect_vreg.gather [hbm4b:s5+s3], $0x80, v4, vm0, $0xb8;
	[tilespmem:$0x14000] =	vst v63  }
0xbe: {  	_ = 	snop  }
0xbf: {  	[tilespmem:s31], [sflag:$0x1] =	stream.indirect_vreg.gather [hbm4b:s2+s3], $0x80, v3, vm0, $0xb8;
	[tilespmem:$0x14000] =	vst v63  }
0xc0: {  	s23 =	simm.s32 $0x7800  }
0xc1: {  	[tilespmem:s23], [sflag:$0x1] =	stream.indirect_vreg.gather [hbm4b:s5+s3], $0x80, v3, vm0, $0xb8;
	[tilespmem:$0x14000] =	vst v63  }
0xc2: {  	_ =	swait.ge [sflag:s9], $0x4000  }
0xc3: {  	[sflag:s9] =	ssyncset.done $0x0  }
0xc4: {  	s23 =	sadd.s32 $0x1000, s22;
	[sflag:s9] =	ssyncadd.s32 $0xFFFFC000  }
0xc5: {  	[hbm4b:s23+s3] =	stream.linear.scatter [tilespmem:s29], [sflag:$0x2], $0x4000, $0x38;
	[tilespmem:$0x14000] =	vst v63  }
0xc6: {  	_ =	swait.ge [sflag:s18], $0x4000  }
0xc7: {  	[sflag:s18] =	ssyncset.done $0x0  }
0xc8: {  	[sflag:s18] =	ssyncadd.s32 $0xFFFFC000  }
0xc9: {  	v3 =	vld [tilespmem:s19+$0xFFFFFEF0];
	_ =	sdelay $0x4  }
0xca: {  	v58 =	vshll.u32 v3, $0x2  }
0xcb: {  	v3 =	vand.u32 $0x7, v3;
	v4 =	vand.u32 $0xFFFFFFE0, v58  }
0xcc: {  	v3 =	vor.u32 v3, v4  }
0xcd: {  	v4 =	vperm.xlane v3, v0;
	_ =	sdelay $0x1  }
0xce: {  	v4 =	vadd.s32 v1, v4;
	_ =	sdelay $0x1  }
0xcf: {  	v3 =	vperm.xlane v3, v2;
	_ =	sdelay $0x1  }
0xd0: {  	v3 =	vadd.s32 v1, v3  }
0xd1: {  	[tilespmem:s1], [sflag:$0x1] =	stream.indirect_vreg.gather [hbm4b:s2+s3], $0x80, v4, vm0, $0xb8;
	[tilespmem:$0x14000] =	vst v63  }
0xd2: {  	s23 =	simm.s32 $0x8800  }
0xd3: {  	[tilespmem:s23], [sflag:$0x1] =	stream.indirect_vreg.gather [hbm4b:s5+s3], $0x80, v4, vm0, $0xb8;
	[tilespmem:$0x14000] =	vst v63  }
0xd4: {  	s23 =	simm.s32 $0x9000  }
0xd5: {  	[tilespmem:s23], [sflag:$0x1] =	stream.indirect_vreg.gather [hbm4b:s2+s3], $0x80, v3, vm0, $0xb8;
	[tilespmem:$0x14000] =	vst v63  }
0xd6: {  	s23 =	simm.s32 $0x9800  }
0xd7: {  	[tilespmem:s23], [sflag:$0x1] =	stream.indirect_vreg.gather [hbm4b:s5+s3], $0x80, v3, vm0, $0xb8;
	[tilespmem:$0x14000] =	vst v63  }
0xd8: {  	v3 =	vld [tilespmem:s19+$0xFFFFFF00];
	_ =	sdelay $0x4  }
0xd9: {  	v59 =	vshll.u32 v3, $0x2  }
0xda: {  	v3 =	vand.u32 $0x7, v3;
	v4 =	vand.u32 $0xFFFFFFE0, v59  }
0xdb: {  	v3 =	vor.u32 v3, v4  }
0xdc: {  	v4 =	vperm.xlane v3, v0;
	_ =	sdelay $0x1  }
0xdd: {  	v4 =	vadd.s32 v1, v4;
	_ =	sdelay $0x1  }
0xde: {  	v3 =	vperm.xlane v3, v2;
	_ =	sdelay $0x1  }
0xdf: {  	v3 =	vadd.s32 v1, v3  }
0xe0: {  	[tilespmem:s8], [sflag:$0x1] =	stream.indirect_vreg.gather [hbm4b:s2+s3], $0x80, v4, vm0, $0xb8;
	[tilespmem:$0x14000] =	vst v63  }
0xe1: {  	_ = 	snop  }
0xe2: {  	[tilespmem:s6], [sflag:$0x1] =	stream.indirect_vreg.gather [hbm4b:s5+s3], $0x80, v4, vm0, $0xb8;
	[tilespmem:$0x14000] =	vst v63  }
0xe3: {  	_ = 	snop  }
0xe4: {  	[tilespmem:s11], [sflag:$0x1] =	stream.indirect_vreg.gather [hbm4b:s2+s3], $0x80, v3, vm0, $0xb8;
	[tilespmem:$0x14000] =	vst v63  }
0xe5: {  	_ = 	snop  }
0xe6: {  	[tilespmem:s13], [sflag:$0x1] =	stream.indirect_vreg.gather [hbm4b:s5+s3], $0x80, v3, vm0, $0xb8;
	[tilespmem:$0x14000] =	vst v63  }
0xe7: {  	_ =	swait.ge [sflag:s9], $0x4000  }
0xe8: {  	[sflag:s9] =	ssyncset.done $0x0  }
0xe9: {  	s1 =	sadd.s32 $0x1800, s22;
	[sflag:s9] =	ssyncadd.s32 $0xFFFFC000  }
0xea: {  	[hbm4b:s1+s3] =	stream.linear.scatter [tilespmem:s10], [sflag:$0x2], $0x4000, $0x38;
	[tilespmem:$0x14000] =	vst v63  }
0xeb: {  	_ =	swait.ge [sflag:s18], $0x4000  }
0xec: {  	[sflag:s18] =	ssyncset.done $0x0  }
0xed: {  	[sflag:s18] =	ssyncadd.s32 $0xFFFFC000  }
0xee: {  	v3 =	vld [tilespmem:s19+$0xFFFFFF70];
	_ =	sdelay $0x4  }
0xef: {  	v60 =	vshll.u32 v3, $0x2  }
0xf0: {  	v3 =	vand.u32 $0x7, v3;
	v4 =	vand.u32 $0xFFFFFFE0, v60  }
0xf1: {  	v3 =	vor.u32 v3, v4  }
0xf2: {  	v4 =	vperm.xlane v3, v0;
	_ =	sdelay $0x1  }
0xf3: {  	v4 =	vadd.s32 v1, v4;
	_ =	sdelay $0x1  }
0xf4: {  	v3 =	vperm.xlane v3, v2;
	_ =	sdelay $0x1  }
0xf5: {  	v3 =	vadd.s32 v1, v3  }
0xf6: {  	[tilespmem:s29], [sflag:$0x1] =	stream.indirect_vreg.gather [hbm4b:s2+s3], $0x80, v4, vm0, $0xb8;
	[tilespmem:$0x14000] =	vst v63  }
0xf7: {  	_ = 	snop  }
0xf8: {  	[tilespmem:s14], [sflag:$0x1] =	stream.indirect_vreg.gather [hbm4b:s5+s3], $0x80, v4, vm0, $0xb8;
	[tilespmem:$0x14000] =	vst v63  }
0xf9: {  	_ = 	snop  }
0xfa: {  	[tilespmem:s15], [sflag:$0x1] =	stream.indirect_vreg.gather [hbm4b:s2+s3], $0x80, v3, vm0, $0xb8;
	[tilespmem:$0x14000] =	vst v63  }
0xfb: {  	_ = 	snop  }
0xfc: {  	[tilespmem:s16], [sflag:$0x1] =	stream.indirect_vreg.gather [hbm4b:s5+s3], $0x80, v3, vm0, $0xb8;
	[tilespmem:$0x14000] =	vst v63  }
0xfd: {  	v3 =	vld [tilespmem:s19+$0xFFFFFF80];
	_ =	sdelay $0x4  }
0xfe: {  	v61 =	vshll.u32 v3, $0x2  }
0xff: {  	v3 =	vand.u32 $0x7, v3;
	v4 =	vand.u32 $0xFFFFFFE0, v61  }
0x100: {  	v3 =	vor.u32 v3, v4  }
0x101: {  	v4 =	vperm.xlane v3, v0;
	_ =	sdelay $0x1  }
0x102: {  	v4 =	vadd.s32 v1, v4;
	_ =	sdelay $0x1  }
0x103: {  	v3 =	vperm.xlane v3, v2;
	_ =	sdelay $0x1  }
0x104: {  	v3 =	vadd.s32 v1, v3  }
0x105: {  	[tilespmem:s17], [sflag:$0x1] =	stream.indirect_vreg.gather [hbm4b:s2+s3], $0x80, v4, vm0, $0xb8;
	[tilespmem:$0x14000] =	vst v63  }
0x106: {  	_ = 	snop  }
0x107: {  	[tilespmem:s12], [sflag:$0x1] =	stream.indirect_vreg.gather [hbm4b:s5+s3], $0x80, v4, vm0, $0xb8;
	[tilespmem:$0x14000] =	vst v63  }
0x108: {  	_ = 	snop  }
0x109: {  	[tilespmem:s24], [sflag:$0x1] =	stream.indirect_vreg.gather [hbm4b:s2+s3], $0x80, v3, vm0, $0xb8;
	[tilespmem:$0x14000] =	vst v63  }
0x10a: {  	_ = 	snop  }
0x10b: {  	[tilespmem:s0], [sflag:$0x1] =	stream.indirect_vreg.gather [hbm4b:s5+s3], $0x80, v3, vm0, $0xb8;
	[tilespmem:$0x14000] =	vst v63  }
0x10c: {  	_ =	swait.ge [sflag:s9], $0x4000  }
0x10d: {  	[sflag:s9] =	ssyncset.done $0x0  }
0x10e: {  	s22 =	sadd.s32 $0x2000, s22;
	[sflag:s9] =	ssyncadd.s32 $0xFFFFC000  }
0x10f: {  	[hbm4b:s22+s3] =	stream.linear.scatter [tilespmem:s20], [sflag:$0x2], $0x4000, $0x38;
	[tilespmem:$0x14000] =	vst v63  }
0x110: {  	_ =	swait.ge [sflag:s18], $0x4000  }
0x111: {  	[sflag:s18] =	ssyncset.done $0x0  }
0x112: {  	[sflag:s18] =	ssyncadd.s32 $0xFFFFC000  }
0x113: {  	v3 =	vld [tilespmem:s19+$0xFFFFFFF0];
	_ =	sdelay $0x4  }
0x114: {  	v62 =	vshll.u32 v3, $0x2  }
0x115: {  	v3 =	vand.u32 $0x7, v3;
	v4 =	vand.u32 $0xFFFFFFE0, v62  }
0x116: {  	v3 =	vor.u32 v3, v4  }
0x117: {  	v4 =	vperm.xlane v3, v0;
	_ =	sdelay $0x1  }
0x118: {  	v4 =	vadd.s32 v1, v4;
	_ =	sdelay $0x1  }
0x119: {  	v3 =	vperm.xlane v3, v2;
	_ =	sdelay $0x1  }
0x11a: {  	v3 =	vadd.s32 v1, v3  }
0x11b: {  	[tilespmem:s10], [sflag:$0x1] =	stream.indirect_vreg.gather [hbm4b:s2+s3], $0x80, v4, vm0, $0xb8;
	[tilespmem:$0x14000] =	vst v63  }
0x11c: {  	s22 =	simm.s32 $0x10800  }
0x11d: {  	[tilespmem:s22], [sflag:$0x1] =	stream.indirect_vreg.gather [hbm4b:s5+s3], $0x80, v4, vm0, $0xb8;
	[tilespmem:$0x14000] =	vst v63  }
0x11e: {  	s23 =	simm.s32 $0x11000  }
0x11f: {  	[tilespmem:s23], [sflag:$0x1] =	stream.indirect_vreg.gather [hbm4b:s2+s3], $0x80, v3, vm0, $0xb8;
	[tilespmem:$0x14000] =	vst v63  }
0x120: {  	s22 =	simm.s32 $0x11800  }
0x121: {  	[tilespmem:s22], [sflag:$0x1] =	stream.indirect_vreg.gather [hbm4b:s5+s3], $0x80, v3, vm0, $0xb8;
	[tilespmem:$0x14000] =	vst v63  }
0x122: {  	v3 =	vld [tilespmem:s19+$0x0];
	_ =	sdelay $0x4  }
0x123: {  	v63 =	vshll.u32 v3, $0x2  }
0x124: {  	v3 =	vand.u32 $0x7, v3;
	v4 =	vand.u32 $0xFFFFFFE0, v63  }
0x125: {  	v3 =	vor.u32 v3, v4  }
0x126: {  	v4 =	vperm.xlane v3, v0;
	_ =	sdelay $0x1  }
0x127: {  	v4 =	vadd.s32 v1, v4;
	_ =	sdelay $0x2  }
0x128: {  	v3 =	vperm.xlane v3, v2  }
0x129: {  	s23 =	simm.s32 $0x12000  }
0x12a: {  	v3 =	vadd.s32 v1, v3;
	[tilespmem:s23], [sflag:$0x1] =	stream.indirect_vreg.gather [hbm4b:s2+s3], $0x80, v4, vm0, $0xb8;
	[tilespmem:$0x14000] =	vst v63  }
0x12b: {  	p0 =	sne.s32 s21, $0x3C000  }
0x12c: {  	[tilespmem:s4], [sflag:$0x1] =	stream.indirect_vreg.gather [hbm4b:s5+s3], $0x80, v4, vm0, $0xb8;
	[tilespmem:$0x14000] =	vst v63  }
.Ltmp0:
0x12d: {  	_ = 	snop;
	(pc) =	sbr.rel @p0 .LBB2_2-.Ltmp0, $4  }
0x12e: {  	_ = 	snop  }
0x12f: {  	[tilespmem:s30], [sflag:$0x1] =	stream.indirect_vreg.gather [hbm4b:s2+s3], $0x80, v3, vm0, $0xb8;
	[tilespmem:$0x14000] =	vst v63  }
0x130: {  	s28 =	simm.s32 $0x8000;
	s21 =	sadd.s32 $0x2000, s21;
	s19 =	sadd.s32 $0x200, s19  }
0x131: {  	[tilespmem:s7], [sflag:$0x1] =	stream.indirect_vreg.gather [hbm4b:s5+s3], $0x80, v3, vm0, $0xb8;
	[tilespmem:$0x14000] =	vst v63  }
0x132: {  	_ =	swait.ge [sflag:s9], $0x4000  }
0x133: {  	[sflag:s9] =	ssyncset.done $0x0  }
0x134: {  	s19 =	rddreg [dreg:$0x7];
	[sflag:s9] =	ssyncadd.s32 $0xFFFFC000  }
0x135: {  	[hbm4b:s19+s3] =	stream.linear.scatter [tilespmem:s28], [sflag:$0x2], $0x4000, $0x38;
	[tilespmem:$0x14000] =	vst v63  }
0x136: {  	_ =	swait.ge [sflag:s18], $0x4000  }
0x137: {  	[sflag:s18] =	ssyncset.done $0x0  }
0x138: {  	[sflag:s18] =	ssyncadd.s32 $0xFFFFC000  }
0x139: {  	_ =	swait.ge [sflag:s9], $0x4000  }
0x13a: {  	[sflag:s9] =	ssyncset.done $0x0  }
0x13b: {  	s24 =	rddreg [dreg:$0x8];
	[sflag:s9] =	ssyncadd.s32 $0xFFFFC000  }
0x13c: {  	[hbm4b:s24+s3] =	stream.linear.scatter [tilespmem:s29], [sflag:$0x2], $0x4000, $0x38;
	[tilespmem:$0x14000] =	vst v63  }
0x13d: {  	_ =	swait.ge [sflag:s18], $0x4000  }
0x13e: {  	[sflag:s18] =	ssyncset.done $0x0  }
0x13f: {  	[sflag:s18] =	ssyncadd.s32 $0xFFFFC000  }
0x140: {  	_ =	swait.ge [sflag:s9], $0x4000  }
0x141: {  	[sflag:s9] =	ssyncset.done $0x0  }
0x142: {  	s25 =	rddreg [dreg:$0x9];
	[sflag:s9] =	ssyncadd.s32 $0xFFFFC000  }
0x143: {  	[hbm4b:s25+s3] =	stream.linear.scatter [tilespmem:s10], [sflag:$0x2], $0x4000, $0x38;
	[tilespmem:$0x14000] =	vst v63  }
0x144: {  	_ =	swait.ge [sflag:s18], $0x4000  }
0x145: {  	s21 =	simm.s32 $0x4800;
	s22 =	simm.s32 $0x5000;
	[sflag:s18] =	ssyncset.done $0x0  }
0x146: {  	s23 =	simm.s32 $0x5800;
	s1 =	simm.s32 $0x7800;
	[sflag:s18] =	ssyncadd.s32 $0xFFFFC000  }
0x147: {  	s4 =	simm.s32 $0x9000;
	s7 =	simm.s32 $0x9800;
	_ =	swait.ge [sflag:s18], $0x4000  }
0x148: {  	s8 =	simm.s32 $0xA000;
	s6 =	simm.s32 $0xA800;
	s0 =	rddreg [dreg:$0xb]  }
0x149: {  	s11 =	simm.s32 $0xB000;
	s26 =	rddreg [dreg:$0xa];
	s0 =	sadd.s32 $0x1, s0  }
0x14a: {  	s13 =	simm.s32 $0xB800;
	s14 =	simm.s32 $0xC800;
	p0 =	sne.s32 s0, s26  }
.Ltmp1:
0x14b: {  	s15 =	simm.s32 $0xD000;
	s16 =	simm.s32 $0xD800;
	(pc) =	sbr.rel @p0 .LBB2_1-.Ltmp1, $4  }
0x14c: {  	s17 =	simm.s32 $0xE000;
	s12 =	simm.s32 $0xE800;
	s20 =	simm.s32 $0x4000  }
0x14d: {  	s30 =	simm.s32 $0xF000;
	s31 =	simm.s32 $0xF800;
	[sflag:s18] =	ssyncset.done $0x0  }
0x14e: {  	s24 =	simm.s32 $0x6000;
	s25 =	simm.s32 $0x6800;
	[sflag:s18] =	ssyncadd.s32 $0xFFFFC000  }
0x14f: {  	[dreg:$0xb] =	wrdreg s0;
	s26 =	simm.s32 $0x7000;
	s0 =	simm.s32 $0x8800  }
0x150: {  	_ =	sfence.sel $0x180000  }
0x151: {  	[bflag:$0x0] =	sbarrier.arrive $0xFFFF  }
0x152: {  	_ =	strace $0x90000047  }
0x153: {  	s0 =	stileid.u32;
	[bflag:$0x2] =	sbarrier.arrive $0xFFFF  }
0x154: {  	p0 =	sne.s32 s0, $0x0;
	s0 =	rddreg [dreg:$0x3]  }
0x155: {  	s0 =	sadd.s32 @!p0 $0x100000, s0  }
0x156: {  	[sflag:s0] =	ssyncadd.tile.s32 @!p0 $0x1;
	_ =	shalt  }
.Lfunc_end2:
_tile_overlayer_lowered:
.L_overlay_start_2:
0x157: {  	(tag) =	ssettag $0x2  }
0x158: {  	s0 =	rddreg [dreg:$0x0];
	s2 =	stileid.u32  }
0x159: {  	s1 =	rddreg [dreg:$0x1];
	p0 =	sne.s32 s2, $0x0  }
0x15a: {  	s3 =	rddreg [dreg:$0x2];
	[bflag:$0x3] =	sbarrier.arrive $0xFFFF;
	s2 =	simm.s32 @!p0 $0x1C03  }
0x15b: {  	[timem:s3], [sflag:s2] =	dma.local @!p0 [hbm:s0], s1  }
0x15c: {  	s0 =	simm.s32 @!p0 $0x3  }
0x15d: {  	_ =	swait.ge @!p0 [sflag:s0], s1  }
0x15e: {  	s1 =	ssub.s32 @!p0 $0x0, s1;
	[sflag:s0] =	ssyncset.done @!p0 $0x0  }
0x15f: {  	[sflag:s0] =	ssyncadd.s32 @!p0 s1  }
0x160: {  	[bflag:$0x3] =	sbarrier.arrive $0xFFFF  }
0x161: {  	_ =	shalt  }

</sc_bundles>
